<compile_context>
chip_gen: v7x
topology: tpu7x:2x2x1
jax: 0.10.2.dev20260603
libtpu: 0.0.44.dev20260713+nightly
codegen_flags: <defaults>
</compile_context>

<pallas_src>
import functools

import jax
import jax.numpy as jnp
from jax import lax
from jax.experimental import pallas as pl
from jax.experimental.pallas import tpu as pltpu
from jax.experimental.pallas import tpu_sc as plsc

B = 4096
T = 200
D = 32
N = B * T
NH = N // 2
NW = 32
CH = 800
BB = 64
NB2 = B // BB // 2

PREC = jax.lax.Precision.DEFAULT


def _sc_gather_q(emb_item, emb_cate, item_id, cate_id):
    nsc = 2
    qn = B // nsc
    mesh = plsc.ScalarSubcoreMesh(axis_name="c", num_cores=nsc)

    @functools.partial(
        pl.kernel,
        out_type=[jax.ShapeDtypeStruct((B, D), jnp.float32),
                  jax.ShapeDtypeStruct((B, D), jnp.float32)],
        mesh=mesh,
        scratch_types=[pltpu.SMEM((qn,), jnp.int32),
                       pltpu.SemaphoreType.DMA,
                       pltpu.SemaphoreType.DMA],
        compiler_params=pltpu.CompilerParams(use_tc_tiling_on_sc=True),
    )
    def q_kernel(ei_hbm, ec_hbm, ii_hbm, ci_hbm, qi_out, qc_out,
                 idx_s, gsem, ssem):
        qbase = lax.axis_index("c") * qn

        def one_table(table, idx_hbm, out):
            pltpu.async_copy(idx_hbm.at[pl.ds(qbase, qn)], idx_s, ssem).wait()

            @pl.loop(0, qn)
            def _(j):
                pltpu.async_copy(table.at[pl.ds(idx_s[j], 1)],
                                 out.at[pl.ds(qbase + j, 1)], gsem)

            pltpu.make_async_copy(table.at[pl.ds(0, qn)],
                                  out.at[pl.ds(qbase, qn)], gsem).wait()

        one_table(ei_hbm, ii_hbm, qi_out)
        one_table(ec_hbm, ci_hbm, qc_out)

    return q_kernel(emb_item, emb_cate, item_id, cate_id)


def _sc_gather_hist(emb_hist_item, emb_hist_cate,
                    hist_item_flat, hist_cate_flat):
    per_w = NH // NW
    n_ch = per_w // CH

    mesh = plsc.VectorSubcoreMesh(core_axis_name="c", subcore_axis_name="s")

    @functools.partial(
        pl.kernel,
        out_type=jax.ShapeDtypeStruct((NH, 4 * D), jnp.float32),
        mesh=mesh,
        scratch_types=[[pltpu.VMEM((CH,), jnp.int32) for _ in range(4)],
                       [pltpu.VMEM((CH, D), jnp.float32) for _ in range(4)],
                       pltpu.SemaphoreType.DMA,
                       pltpu.SemaphoreType.DMA],
        compiler_params=pltpu.CompilerParams(use_tc_tiling_on_sc=False),
    )
    def gather_kernel(ehi_hbm, ehc_hbm, hi_hbm, hc_hbm, kp_out,
                      idx_vs, rows_vs, gsem, isem):
        wid = lax.axis_index("s") * 2 + lax.axis_index("c")
        base = wid * per_w

        @pl.loop(0, n_ch)
        def _(c):
            off = base + c * CH
            srcs = ((hi_hbm, ehi_hbm, 0), (hc_hbm, ehc_hbm, 0),
                    (hi_hbm, ehi_hbm, NH), (hc_hbm, ehc_hbm, NH))
            hs = [pltpu.async_copy(idx.at[pl.ds(ioff + off, CH)],
                                   idx_vs[k], isem)
                  for k, (idx, _, ioff) in enumerate(srcs)]
            for h in hs:
                h.wait()
            ws = []
            for k, (_, tab, _) in enumerate(srcs):
                pltpu.async_copy(tab.at[idx_vs[k]], rows_vs[k], gsem).wait()
                ws.append(pltpu.async_copy(
                    rows_vs[k],
                    kp_out.at[pl.ds(off, CH), pl.ds(k * D, D)], isem))
            for h in ws:
                h.wait()

    return gather_kernel(emb_hist_item, emb_hist_cate,
                         hist_item_flat, hist_cate_flat)


def _att_body(qil_ref, qcl_ref, qih_ref, qch_ref, kp_ref, lenl_ref, lenh_ref,
              wbq_ref, b1_ref, wbk_ref, wbp_ref, w2b_ref, b2_ref,
              wol_ref, woh_ref, sc_ref, out_ref):
    a1 = sc_ref[0, 0]
    a2 = sc_ref[0, 1]
    bo = sc_ref[0, 2]
    qq128 = jnp.concatenate([qil_ref[...], qcl_ref[...],
                             qih_ref[...], qch_ref[...]], axis=1)
    tq = jnp.dot(qq128, wbq_ref[...], preferred_element_type=jnp.float32,
                 precision=PREC) + b1_ref[...]
    kp = kp_ref[...]
    kp3 = kp.reshape(BB, T, 4 * D)
    qkp = (kp3 * qq128[:, None, :]).reshape(BB * T, 4 * D)
    h1 = (jnp.dot(kp, wbk_ref[...], preferred_element_type=jnp.float32,
                  precision=PREC)
          + jnp.dot(qkp, wbp_ref[...], preferred_element_type=jnp.float32,
                    precision=PREC))
    h1 = h1.reshape(BB, T, 160) + tq[:, None, :]
    h1 = jnp.where(h1 > 0, h1, a1 * h1).reshape(BB * T, 160)
    h2 = jnp.dot(h1, w2b_ref[...], preferred_element_type=jnp.float32,
                 precision=PREC) + b2_ref[...]
    h2 = jnp.where(h2 > 0, h2, a2 * h2)
    h23 = h2.reshape(BB, T, 80)
    s_lo = (jnp.sum(h23 * wol_ref[...][None, :, :], axis=2) + bo) * jnp.float32(0.125)
    s_hi = (jnp.sum(h23 * woh_ref[...][None, :, :], axis=2) + bo) * jnp.float32(0.125)
    lens_lo = lenl_ref[0, 0, :]
    lens_hi = lenh_ref[0, 0, :]
    jidx = lax.broadcasted_iota(jnp.int32, (BB, T), 1)
    neg = jnp.float32(-1e9)
    s_lo = jnp.where(jidx < lens_lo[:, None], s_lo, neg)
    s_hi = jnp.where(jidx < lens_hi[:, None], s_hi, neg)
    e_lo = jnp.exp(s_lo - jnp.max(s_lo, axis=1, keepdims=True))
    e_hi = jnp.exp(s_hi - jnp.max(s_hi, axis=1, keepdims=True))
    a_lo = e_lo / jnp.sum(e_lo, axis=1, keepdims=True)
    a_hi = e_hi / jnp.sum(e_hi, axis=1, keepdims=True)
    lane = lax.broadcasted_iota(jnp.int32, (BB, T, 4 * D), 2)
    att128 = jnp.where(lane < 2 * D, a_lo[:, :, None], a_hi[:, :, None])
    out_ref[...] = jnp.sum(kp3 * att128, axis=1)


def _attention(q_item, q_cate, kp, len3, wbq, b1_2, wbk, wbp, w2b, b2_2,
               wo_lo, wo_hi, sc):
    rep = lambda shape: pl.BlockSpec(shape, lambda i: tuple(0 for _ in shape))
    return pl.pallas_call(
        _att_body,
        grid=(NB2,),
        in_specs=[
            pl.BlockSpec((BB, D), lambda i: (i, 0)),
            pl.BlockSpec((BB, D), lambda i: (i, 0)),
            pl.BlockSpec((BB, D), lambda i: (i + NB2, 0)),
            pl.BlockSpec((BB, D), lambda i: (i + NB2, 0)),
            pl.BlockSpec((BB * T, 4 * D), lambda i: (i, 0)),
            pl.BlockSpec((1, 1, BB), lambda i: (i, 0, 0)),
            pl.BlockSpec((1, 1, BB), lambda i: (i + NB2, 0, 0)),
            rep((4 * D, 160)),
            rep((1, 160)),
            rep((4 * D, 160)),
            rep((4 * D, 160)),
            rep((160, 80)),
            rep((1, 80)),
            rep((1, 80)),
            rep((1, 80)),
            rep((1, 8)),
        ],
        out_specs=pl.BlockSpec((BB, 4 * D), lambda i: (i, 0)),
        out_shape=jax.ShapeDtypeStruct((B // 2, 4 * D), jnp.float32),
    )(q_item, q_cate, q_item, q_cate, kp, len3, len3,
      wbq, b1_2, wbk, wbp, w2b, b2_2, wo_lo, wo_hi, sc)


def _mlp_body(pr_ref, qi_ref, qc_ref, ao_ref, w1_ref, b1_ref, g1_ref, be1_ref,
              w2_ref, b2_ref, g2_ref, be2_ref, fw_ref, sc_ref, out_ref):
    a1 = sc_ref[0, 0]
    a2 = sc_ref[0, 1]
    fb = sc_ref[0, 2]
    ao = ao_ref[...]
    att = jnp.concatenate([ao[:, 0:2 * D], ao[:, 2 * D:4 * D]], axis=0)
    x = jnp.concatenate([pr_ref[...], qi_ref[...], qc_ref[...], att],
                        axis=1)
    h = jnp.dot(x, w1_ref[...], preferred_element_type=jnp.float32,
                precision=PREC) + b1_ref[...]
    mu = jnp.mean(h, axis=0, keepdims=True)
    var = jnp.mean((h - mu) ** 2, axis=0, keepdims=True)
    h = g1_ref[...] * (h - mu) / jnp.sqrt(var + 1e-5) + be1_ref[...]
    h = jnp.where(h > 0, h, a1 * h)
    h = jnp.dot(h, w2_ref[...], preferred_element_type=jnp.float32,
                precision=PREC) + b2_ref[...]
    mu = jnp.mean(h, axis=0, keepdims=True)
    var = jnp.mean((h - mu) ** 2, axis=0, keepdims=True)
    h = g2_ref[...] * (h - mu) / jnp.sqrt(var + 1e-5) + be2_ref[...]
    h = jnp.where(h > 0, h, a2 * h)
    o = jnp.dot(h, fw_ref[...], preferred_element_type=jnp.float32,
                precision=PREC) + fb
    out_ref[...] = jax.nn.sigmoid(o)


def _mlp(price2, q_item, q_cate, att_fold,
         w1, b1, g1, be1, w2, b2, g2, be2, fw, sc):
    return pl.pallas_call(
        _mlp_body,
        out_shape=jax.ShapeDtypeStruct((B, 1), jnp.float32),
    )(price2, q_item, q_cate, att_fold, w1, b1, g1, be1, w2, b2, g2, be2,
      fw, sc)


def kernel(price, item_id, cate_id, hist_item_id, hist_cate_id,
           hist_item_id_length, hist_cate_id_length,
           emb_item, emb_cate, emb_hist_item, emb_hist_cate,
           att_W1, att_b1, att_a1, att_W2, att_b2, att_a2, att_Wo, att_bo,
           mlp_W1, mlp_b1, mlp_g1, mlp_be1, mlp_a1,
           mlp_W2, mlp_b2, mlp_g2, mlp_be2, mlp_a2,
           fin_W, fin_b):
    q_item, q_cate = _sc_gather_q(emb_item, emb_cate, item_id, cate_id)
    kp = _sc_gather_hist(emb_hist_item, emb_hist_cate,
                         hist_item_id.reshape(-1), hist_cate_id.reshape(-1))

    wq = att_W1[0:2 * D] + att_W1[4 * D:6 * D]
    wk = att_W1[2 * D:4 * D] - att_W1[4 * D:6 * D]
    wp = att_W1[6 * D:8 * D]
    z64 = jnp.zeros((2 * D, 80), jnp.float32)
    z80 = jnp.zeros((80, 40), jnp.float32)
    wbq = jnp.block([[wq, z64], [z64, wq]])
    wbk = jnp.block([[wk, z64], [z64, wk]])
    wbp = jnp.block([[wp, z64], [z64, wp]])
    w2b = jnp.block([[att_W2, z80], [z80, att_W2]])
    b1_2 = jnp.concatenate([att_b1, att_b1]).reshape(1, 160)
    b2_2 = jnp.concatenate([att_b2, att_b2]).reshape(1, 80)
    wo = att_Wo.reshape(40)
    z40 = jnp.zeros((40,), jnp.float32)
    wo_lo = jnp.concatenate([wo, z40]).reshape(1, 80)
    wo_hi = jnp.concatenate([z40, wo]).reshape(1, 80)
    keys_len = jnp.minimum(hist_item_id_length, hist_cate_id_length)
    len3 = keys_len.astype(jnp.int32).reshape(B // BB, 1, BB)
    sc_att = jnp.stack([att_a1, att_a2, att_bo[0]] + [jnp.float32(0)] * 5)
    att_fold = _attention(q_item, q_cate, kp, len3, wbq, b1_2,
                          wbk, wbp, w2b, b2_2, wo_lo, wo_hi,
                          sc_att.reshape(1, 8))

    sc_mlp = jnp.stack([mlp_a1, mlp_a2, fin_b[0]] + [jnp.float32(0)] * 5)
    return _mlp(price.reshape(B, 1), q_item, q_cate, att_fold,
                mlp_W1, mlp_b1.reshape(1, 200), mlp_g1.reshape(1, 200),
                mlp_be1.reshape(1, 200), mlp_W2, mlp_b2.reshape(1, 80),
                mlp_g2.reshape(1, 80), mlp_be2.reshape(1, 80),
                fin_W, sc_mlp.reshape(1, 8))

# --- scband reference (transcript-rebuilt; emitter-appended) ---
"""Pipeline reference for scband-din-29978871726616 (READ-ONLY COPY).

The authoritative reference and input builder live on the scoring server;
editing this copy changes nothing except your own understanding.
"""

import jax, jax.numpy as jnp
import numpy as np

B = 4096
T = 200
D = 32
V_ITEM = 1000000
V_CATE = 1000
ATT_IN = 4 * 2 * D
DNN_IN = 1 + 2 * D + 2 * D

def _prelu(x, a):
    return jnp.where(x > 0, x, a * x)

def _batchnorm(x, g, b):
    m = jnp.mean(x, axis=0)
    v = jnp.var(x, axis=0)
    return g * (x - m) / jnp.sqrt(v + 1e-5) + b

def _dense_init(key, fan_in, fan_out):
    return jax.random.normal(key, (fan_in, fan_out), jnp.float32) / np.sqrt(fan_in)

def setup_inputs(seed: int = 0):
    key = jax.random.key(seed)
    ks = jax.random.split(key, 32)
    inp = {}
    inp['price'] = jax.random.normal(ks[0], (B,), jnp.float32)
    inp['item_id'] = jax.random.randint(ks[1], (B,), 0, V_ITEM)
    inp['cate_id'] = jax.random.randint(ks[2], (B,), 0, V_CATE)
    inp['hist_item_id'] = jax.random.randint(ks[3], (B, T), 0, V_ITEM)
    inp['hist_cate_id'] = jax.random.randint(ks[4], (B, T), 0, V_CATE)
    inp['hist_item_id_length'] = jax.random.randint(ks[5], (B,), 1, T + 1)
    inp['hist_cate_id_length'] = jax.random.randint(ks[6], (B,), 1, T + 1)
    inp['emb_item'] = jax.random.normal(ks[7], (V_ITEM, D), jnp.float32) * 0.01
    inp['emb_cate'] = jax.random.normal(ks[8], (V_CATE, D), jnp.float32) * 0.01
    inp['emb_hist_item'] = (jax.random.normal(ks[9], (V_ITEM, D), jnp.float32) * 0.01).at[0].set(0.0)
    inp['emb_hist_cate'] = (jax.random.normal(ks[10], (V_CATE, D), jnp.float32) * 0.01).at[0].set(0.0)
    inp['att_W1'] = _dense_init(ks[11], ATT_IN, 80)
    inp['att_b1'] = jnp.zeros((80,), jnp.float32)
    inp['att_a1'] = jnp.float32(0.25)
    inp['att_W2'] = _dense_init(ks[12], 80, 40)
    inp['att_b2'] = jnp.zeros((40,), jnp.float32)
    inp['att_a2'] = jnp.float32(0.25)
    inp['att_Wo'] = _dense_init(ks[13], 40, 1)
    inp['att_bo'] = jnp.zeros((1,), jnp.float32)
    inp['mlp_W1'] = _dense_init(ks[14], DNN_IN, 200)
    inp['mlp_b1'] = jnp.zeros((200,), jnp.float32)
    inp['mlp_g1'] = jnp.ones((200,), jnp.float32)
    inp['mlp_be1'] = jnp.zeros((200,), jnp.float32)
    inp['mlp_a1'] = jnp.float32(0.25)
    inp['mlp_W2'] = _dense_init(ks[15], 200, 80)
    inp['mlp_b2'] = jnp.zeros((80,), jnp.float32)
    inp['mlp_g2'] = jnp.ones((80,), jnp.float32)
    inp['mlp_be2'] = jnp.zeros((80,), jnp.float32)
    inp['mlp_a2'] = jnp.float32(0.25)
    inp['fin_W'] = _dense_init(ks[16], 80, 1)
    inp['fin_b'] = jnp.zeros((1,), jnp.float32)
    return inp

def reference(price, item_id, cate_id, hist_item_id, hist_cate_id,
              hist_item_id_length, hist_cate_id_length,
              emb_item, emb_cate, emb_hist_item, emb_hist_cate,
              att_W1, att_b1, att_a1, att_W2, att_b2, att_a2, att_Wo, att_bo,
              mlp_W1, mlp_b1, mlp_g1, mlp_be1, mlp_a1,
              mlp_W2, mlp_b2, mlp_g2, mlp_be2, mlp_a2,
              fin_W, fin_b):
    # category embedding lookups (SparseCore gather)
    q_item = jnp.take(emb_item, item_id, axis=0)
    q_cate = jnp.take(emb_cate, cate_id, axis=0)
    # sequence embedding lookups
    k_item = jnp.take(emb_hist_item, hist_item_id, axis=0)
    k_cate = jnp.take(emb_hist_cate, hist_cate_id, axis=0)
    query = jnp.concatenate([q_item, q_cate], axis=-1)              # B x 2D
    keys = jnp.concatenate([k_item, k_cate], axis=-1)               # B x T x 2D
    keys_length = jnp.minimum(hist_item_id_length, hist_cate_id_length)
    # DIN attention pooling
    q = jnp.broadcast_to(query[:, None, :], keys.shape)
    din_all = jnp.concatenate([q, keys, q - keys, q * keys], axis=-1)  # B x T x 8D
    h = _prelu(din_all @ att_W1 + att_b1, att_a1)
    h = _prelu(h @ att_W2 + att_b2, att_a2)
    scores = (h @ att_Wo + att_bo)[..., 0]                           # B x T
    scores = scores / jnp.sqrt(jnp.float32(keys.shape[-1]))
    mask = jnp.arange(T)[None, :] < keys_length[:, None]
    scores = jnp.where(mask, scores, jnp.float32(-1e9))
    attn = jax.nn.softmax(scores, axis=-1)
    att_out = jnp.einsum('bt,btd->bd', attn, keys)                   # B x 2D
    # concat number + category embeddings + attention output
    x = jnp.concatenate([price[:, None], q_item, q_cate, att_out], axis=-1)
    h = _prelu(_batchnorm(x @ mlp_W1 + mlp_b1, mlp_g1, mlp_be1), mlp_a1)
    h = _prelu(_batchnorm(h @ mlp_W2 + mlp_b2, mlp_g2, mlp_be2), mlp_a2)
    out = jax.nn.sigmoid(h @ fin_W + fin_b)
    return out

if __name__ == "__main__":
    import jax
    _d = setup_inputs()
    print(jax.jit(kernel)(*tuple(_d.values())))

</pallas_src>

<mosaic_0001>
#map = affine_map<(d0, d1) -> (0, 0)>
#map1 = affine_map<(d0, d1) -> (0)>
module attributes {stable_mosaic.version = 14 : i64} {
  func.func @gather_kernel(%arg0: i32, %arg1: i32, %arg2: memref<1000000x32xf32, #tpu.memory_space<hbm>>, %arg3: memref<1000x32xf32, #tpu.memory_space<hbm>>, %arg4: memref<819200xi32, #tpu.memory_space<hbm>>, %arg5: memref<819200xi32, #tpu.memory_space<hbm>>, %arg6: memref<409600x128xf32, #tpu.memory_space<hbm>>, %arg7: memref<800xi32, #tpu.memory_space<vmem>>, %arg8: memref<800xi32, #tpu.memory_space<vmem>>, %arg9: memref<800xi32, #tpu.memory_space<vmem>>, %arg10: memref<800xi32, #tpu.memory_space<vmem>>, %arg11: memref<800x32xf32, #tpu.memory_space<vmem>>, %arg12: memref<800x32xf32, #tpu.memory_space<vmem>>, %arg13: memref<800x32xf32, #tpu.memory_space<vmem>>, %arg14: memref<800x32xf32, #tpu.memory_space<vmem>>, %arg15: memref<!tpu.dma_semaphore, #tpu.memory_space<semaphore_mem>>, %arg16: memref<!tpu.dma_semaphore, #tpu.memory_space<semaphore_mem>>) attributes {dimension_semantics = [#tpu.dimension_semantics<core_parallel>, #tpu.dimension_semantics<subcore_parallel>], iteration_bounds = array<i64: 2, 16>, scalar_prefetch = 0 : i64, scratch_operands = 10 : i64, tpu.core_type = #tpu.core_type<sc_vector_subcore>, window_params = [{transform_indices = #map}, {transform_indices = #map}, {transform_indices = #map1}, {transform_indices = #map1}, {transform_indices = #map}]} {
    %mul3A = arith.constant 2 : i32
    %mul3A_0 = arith.muli %arg1, %mul3A : i32
    %add3A = arith.addi %mul3A_0, %arg0 : i32
    %mul3A_1 = arith.constant 12800 : i32
    %mul3A_2 = arith.muli %add3A, %mul3A_1 : i32
    %scan3A = arith.constant 0 : i32
    %scan3A_3 = arith.constant 16 : i32
    %scan3A_4 = arith.addi %scan3A, %scan3A_3 : i32
    %scan3A_5 = arith.constant 1 : i32
    scf.for %scan3A_7 = %scan3A to %scan3A_4 step %scan3A_5  : i32 {
      %mul3A_8 = arith.constant 1 : i32
      %mul3A_9 = arith.muli %scan3A_7, %mul3A_8 : i32
      %add3A_10 = arith.constant 0 : i32
      %add3A_11 = arith.addi %add3A_10, %mul3A_9 : i32
      %mul3A_12 = arith.constant 800 : i32
      %mul3A_13 = arith.muli %add3A_11, %mul3A_12 : i32
      %add3A_14 = arith.addi %mul3A_2, %mul3A_13 : i32
      %add3A_15 = arith.constant 0 : i32
      %add3A_16 = arith.addi %add3A_15, %add3A_14 : i32
      %dma_start3A = tpu.memref_slice %arg4[%add3A_16] : memref<819200xi32, #tpu.memory_space<hbm>> -> memref<800xi32, #tpu.memory_space<hbm>>
      %dma_start3A_17 = tpu.memref_slice %arg4[%add3A_16] : memref<819200xi32, #tpu.memory_space<hbm>> -> memref<800xi32, #tpu.memory_space<hbm>>
      tpu.enqueue_dma source(%dma_start3A_17 : memref<800xi32, #tpu.memory_space<hbm>>) target(%arg7 : memref<800xi32, #tpu.memory_space<vmem>>) target_semaphore(%arg16 : memref<!tpu.dma_semaphore, #tpu.memory_space<semaphore_mem>>)
      %add3A_18 = arith.constant 0 : i32
      %add3A_19 = arith.addi %add3A_18, %add3A_14 : i32
      %dma_start3A_20 = tpu.memref_slice %arg5[%add3A_19] : memref<819200xi32, #tpu.memory_space<hbm>> -> memref<800xi32, #tpu.memory_space<hbm>>
      %dma_start3A_21 = tpu.memref_slice %arg5[%add3A_19] : memref<819200xi32, #tpu.memory_space<hbm>> -> memref<800xi32, #tpu.memory_space<hbm>>
      tpu.enqueue_dma source(%dma_start3A_21 : memref<800xi32, #tpu.memory_space<hbm>>) target(%arg8 : memref<800xi32, #tpu.memory_space<vmem>>) target_semaphore(%arg16 : memref<!tpu.dma_semaphore, #tpu.memory_space<semaphore_mem>>)
      %add3A_22 = arith.constant 409600 : i32
      %add3A_23 = arith.addi %add3A_22, %add3A_14 : i32
      %dma_start3A_24 = tpu.memref_slice %arg4[%add3A_23] : memref<819200xi32, #tpu.memory_space<hbm>> -> memref<800xi32, #tpu.memory_space<hbm>>
      %dma_start3A_25 = tpu.memref_slice %arg4[%add3A_23] : memref<819200xi32, #tpu.memory_space<hbm>> -> memref<800xi32, #tpu.memory_space<hbm>>
      tpu.enqueue_dma source(%dma_start3A_25 : memref<800xi32, #tpu.memory_space<hbm>>) target(%arg9 : memref<800xi32, #tpu.memory_space<vmem>>) target_semaphore(%arg16 : memref<!tpu.dma_semaphore, #tpu.memory_space<semaphore_mem>>)
      %add3A_26 = arith.constant 409600 : i32
      %add3A_27 = arith.addi %add3A_26, %add3A_14 : i32
      %dma_start3A_28 = tpu.memref_slice %arg5[%add3A_27] : memref<819200xi32, #tpu.memory_space<hbm>> -> memref<800xi32, #tpu.memory_space<hbm>>
      %dma_start3A_29 = tpu.memref_slice %arg5[%add3A_27] : memref<819200xi32, #tpu.memory_space<hbm>> -> memref<800xi32, #tpu.memory_space<hbm>>
      tpu.enqueue_dma source(%dma_start3A_29 : memref<800xi32, #tpu.memory_space<hbm>>) target(%arg10 : memref<800xi32, #tpu.memory_space<vmem>>) target_semaphore(%arg16 : memref<!tpu.dma_semaphore, #tpu.memory_space<semaphore_mem>>)
      %dma_wait3A = tpu.memref_slice %arg4[%add3A_16] : memref<819200xi32, #tpu.memory_space<hbm>> -> memref<800xi32, #tpu.memory_space<hbm>>
      %dma_wait3A_30 = tpu.memref_slice %arg4[%add3A_16] : memref<819200xi32, #tpu.memory_space<hbm>> -> memref<800xi32, #tpu.memory_space<hbm>>
      tpu.wait_dma2 semaphore(%arg16 : memref<!tpu.dma_semaphore, #tpu.memory_space<semaphore_mem>>) src(%dma_wait3A_30 : memref<800xi32, #tpu.memory_space<hbm>>) dst(%arg7 : memref<800xi32, #tpu.memory_space<vmem>>)
      %dma_wait3A_31 = tpu.memref_slice %arg5[%add3A_19] : memref<819200xi32, #tpu.memory_space<hbm>> -> memref<800xi32, #tpu.memory_space<hbm>>
      %dma_wait3A_32 = tpu.memref_slice %arg5[%add3A_19] : memref<819200xi32, #tpu.memory_space<hbm>> -> memref<800xi32, #tpu.memory_space<hbm>>
      tpu.wait_dma2 semaphore(%arg16 : memref<!tpu.dma_semaphore, #tpu.memory_space<semaphore_mem>>) src(%dma_wait3A_32 : memref<800xi32, #tpu.memory_space<hbm>>) dst(%arg8 : memref<800xi32, #tpu.memory_space<vmem>>)
      %dma_wait3A_33 = tpu.memref_slice %arg4[%add3A_23] : memref<819200xi32, #tpu.memory_space<hbm>> -> memref<800xi32, #tpu.memory_space<hbm>>
      %dma_wait3A_34 = tpu.memref_slice %arg4[%add3A_23] : memref<819200xi32, #tpu.memory_space<hbm>> -> memref<800xi32, #tpu.memory_space<hbm>>
      tpu.wait_dma2 semaphore(%arg16 : memref<!tpu.dma_semaphore, #tpu.memory_space<semaphore_mem>>) src(%dma_wait3A_34 : memref<800xi32, #tpu.memory_space<hbm>>) dst(%arg9 : memref<800xi32, #tpu.memory_space<vmem>>)
      %dma_wait3A_35 = tpu.memref_slice %arg5[%add3A_27] : memref<819200xi32, #tpu.memory_space<hbm>> -> memref<800xi32, #tpu.memory_space<hbm>>
      %dma_wait3A_36 = tpu.memref_slice %arg5[%add3A_27] : memref<819200xi32, #tpu.memory_space<hbm>> -> memref<800xi32, #tpu.memory_space<hbm>>
      tpu.wait_dma2 semaphore(%arg16 : memref<!tpu.dma_semaphore, #tpu.memory_space<semaphore_mem>>) src(%dma_wait3A_36 : memref<800xi32, #tpu.memory_space<hbm>>) dst(%arg10 : memref<800xi32, #tpu.memory_space<vmem>>)
      %dma_start3A_37 = arith.constant 0 : i32
      %dma_start3A_38 = arith.constant 0 : i32
      %dma_start3A_39 = tpu.memref_slice %arg2[%dma_start3A_37, %dma_start3A_38] : memref<1000000x32xf32, #tpu.memory_space<hbm>> -> memref<1000000x32xf32, #tpu.memory_space<hbm>>
      tpu.enqueue_indirect_dma source(%dma_start3A_39 : memref<1000000x32xf32, #tpu.memory_space<hbm>>) target(%arg11 : memref<800x32xf32, #tpu.memory_space<vmem>>) offsets(%arg7 : memref<800xi32, #tpu.memory_space<vmem>>) semaphore(%arg15 : memref<!tpu.dma_semaphore, #tpu.memory_space<semaphore_mem>>)
      %dma_wait3A_40 = arith.constant 0 : i32
      %dma_wait3A_41 = arith.constant 0 : i32
      %dma_wait3A_42 = tpu.memref_slice %arg2[%dma_wait3A_40, %dma_wait3A_41] : memref<1000000x32xf32, #tpu.memory_space<hbm>> -> memref<1000000x32xf32, #tpu.memory_space<hbm>>
      tpu.wait_indirect_dma semaphore(%arg15 : memref<!tpu.dma_semaphore, #tpu.memory_space<semaphore_mem>>) src(%dma_wait3A_42 : memref<1000000x32xf32, #tpu.memory_space<hbm>>) dst(%arg11 : memref<800x32xf32, #tpu.memory_space<vmem>>)
      %dma_start3A_43 = arith.constant 0 : i32
      %dma_start3A_44 = tpu.memref_slice %arg6[%add3A_14, %dma_start3A_43] : memref<409600x128xf32, #tpu.memory_space<hbm>> -> memref<800x32xf32, #tpu.memory_space<hbm>>
      %dma_start3A_45 = arith.constant 0 : i32
      %dma_start3A_46 = tpu.memref_slice %arg6[%add3A_14, %dma_start3A_45] : memref<409600x128xf32, #tpu.memory_space<hbm>> -> memref<800x32xf32, #tpu.memory_space<hbm>>
      tpu.enqueue_dma source(%arg11 : memref<800x32xf32, #tpu.memory_space<vmem>>) target(%dma_start3A_46 : memref<800x32xf32, #tpu.memory_space<hbm>>) target_semaphore(%arg16 : memref<!tpu.dma_semaphore, #tpu.memory_space<semaphore_mem>>)
      %dma_start3A_47 = arith.constant 0 : i32
      %dma_start3A_48 = arith.constant 0 : i32
      %dma_start3A_49 = tpu.memref_slice %arg3[%dma_start3A_47, %dma_start3A_48] : memref<1000x32xf32, #tpu.memory_space<hbm>> -> memref<1000x32xf32, #tpu.memory_space<hbm>>
      tpu.enqueue_indirect_dma source(%dma_start3A_49 : memref<1000x32xf32, #tpu.memory_space<hbm>>) target(%arg12 : memref<800x32xf32, #tpu.memory_space<vmem>>) offsets(%arg8 : memref<800xi32, #tpu.memory_space<vmem>>) semaphore(%arg15 : memref<!tpu.dma_semaphore, #tpu.memory_space<semaphore_mem>>)
      %dma_wait3A_50 = arith.constant 0 : i32
      %dma_wait3A_51 = arith.constant 0 : i32
      %dma_wait3A_52 = tpu.memref_slice %arg3[%dma_wait3A_50, %dma_wait3A_51] : memref<1000x32xf32, #tpu.memory_space<hbm>> -> memref<1000x32xf32, #tpu.memory_space<hbm>>
      tpu.wait_indirect_dma semaphore(%arg15 : memref<!tpu.dma_semaphore, #tpu.memory_space<semaphore_mem>>) src(%dma_wait3A_52 : memref<1000x32xf32, #tpu.memory_space<hbm>>) dst(%arg12 : memref<800x32xf32, #tpu.memory_space<vmem>>)
      %dma_start3A_53 = arith.constant 32 : i32
      %dma_start3A_54 = tpu.memref_slice %arg6[%add3A_14, %dma_start3A_53] : memref<409600x128xf32, #tpu.memory_space<hbm>> -> memref<800x32xf32, #tpu.memory_space<hbm>>
      %dma_start3A_55 = arith.constant 32 : i32
      %dma_start3A_56 = tpu.memref_slice %arg6[%add3A_14, %dma_start3A_55] : memref<409600x128xf32, #tpu.memory_space<hbm>> -> memref<800x32xf32, #tpu.memory_space<hbm>>
      tpu.enqueue_dma source(%arg12 : memref<800x32xf32, #tpu.memory_space<vmem>>) target(%dma_start3A_56 : memref<800x32xf32, #tpu.memory_space<hbm>>) target_semaphore(%arg16 : memref<!tpu.dma_semaphore, #tpu.memory_space<semaphore_mem>>)
      %dma_start3A_57 = arith.constant 0 : i32
      %dma_start3A_58 = arith.constant 0 : i32
      %dma_start3A_59 = tpu.memref_slice %arg2[%dma_start3A_57, %dma_start3A_58] : memref<1000000x32xf32, #tpu.memory_space<hbm>> -> memref<1000000x32xf32, #tpu.memory_space<hbm>>
      tpu.enqueue_indirect_dma source(%dma_start3A_59 : memref<1000000x32xf32, #tpu.memory_space<hbm>>) target(%arg13 : memref<800x32xf32, #tpu.memory_space<vmem>>) offsets(%arg9 : memref<800xi32, #tpu.memory_space<vmem>>) semaphore(%arg15 : memref<!tpu.dma_semaphore, #tpu.memory_space<semaphore_mem>>)
      %dma_wait3A_60 = arith.constant 0 : i32
      %dma_wait3A_61 = arith.constant 0 : i32
      %dma_wait3A_62 = tpu.memref_slice %arg2[%dma_wait3A_60, %dma_wait3A_61] : memref<1000000x32xf32, #tpu.memory_space<hbm>> -> memref<1000000x32xf32, #tpu.memory_space<hbm>>
      tpu.wait_indirect_dma semaphore(%arg15 : memref<!tpu.dma_semaphore, #tpu.memory_space<semaphore_mem>>) src(%dma_wait3A_62 : memref<1000000x32xf32, #tpu.memory_space<hbm>>) dst(%arg13 : memref<800x32xf32, #tpu.memory_space<vmem>>)
      %dma_start3A_63 = arith.constant 64 : i32
      %dma_start3A_64 = tpu.memref_slice %arg6[%add3A_14, %dma_start3A_63] : memref<409600x128xf32, #tpu.memory_space<hbm>> -> memref<800x32xf32, #tpu.memory_space<hbm>>
      %dma_start3A_65 = arith.constant 64 : i32
      %dma_start3A_66 = tpu.memref_slice %arg6[%add3A_14, %dma_start3A_65] : memref<409600x128xf32, #tpu.memory_space<hbm>> -> memref<800x32xf32, #tpu.memory_space<hbm>>
      tpu.enqueue_dma source(%arg13 : memref<800x32xf32, #tpu.memory_space<vmem>>) target(%dma_start3A_66 : memref<800x32xf32, #tpu.memory_space<hbm>>) target_semaphore(%arg16 : memref<!tpu.dma_semaphore, #tpu.memory_space<semaphore_mem>>)
      %dma_start3A_67 = arith.constant 0 : i32
      %dma_start3A_68 = arith.constant 0 : i32
      %dma_start3A_69 = tpu.memref_slice %arg3[%dma_start3A_67, %dma_start3A_68] : memref<1000x32xf32, #tpu.memory_space<hbm>> -> memref<1000x32xf32, #tpu.memory_space<hbm>>
      tpu.enqueue_indirect_dma source(%dma_start3A_69 : memref<1000x32xf32, #tpu.memory_space<hbm>>) target(%arg14 : memref<800x32xf32, #tpu.memory_space<vmem>>) offsets(%arg10 : memref<800xi32, #tpu.memory_space<vmem>>) semaphore(%arg15 : memref<!tpu.dma_semaphore, #tpu.memory_space<semaphore_mem>>)
      %dma_wait3A_70 = arith.constant 0 : i32
      %dma_wait3A_71 = arith.constant 0 : i32
      %dma_wait3A_72 = tpu.memref_slice %arg3[%dma_wait3A_70, %dma_wait3A_71] : memref<1000x32xf32, #tpu.memory_space<hbm>> -> memref<1000x32xf32, #tpu.memory_space<hbm>>
      tpu.wait_indirect_dma semaphore(%arg15 : memref<!tpu.dma_semaphore, #tpu.memory_space<semaphore_mem>>) src(%dma_wait3A_72 : memref<1000x32xf32, #tpu.memory_space<hbm>>) dst(%arg14 : memref<800x32xf32, #tpu.memory_space<vmem>>)
      %dma_start3A_73 = arith.constant 96 : i32
      %dma_start3A_74 = tpu.memref_slice %arg6[%add3A_14, %dma_start3A_73] : memref<409600x128xf32, #tpu.memory_space<hbm>> -> memref<800x32xf32, #tpu.memory_space<hbm>>
      %dma_start3A_75 = arith.constant 96 : i32
      %dma_start3A_76 = tpu.memref_slice %arg6[%add3A_14, %dma_start3A_75] : memref<409600x128xf32, #tpu.memory_space<hbm>> -> memref<800x32xf32, #tpu.memory_space<hbm>>
      tpu.enqueue_dma source(%arg14 : memref<800x32xf32, #tpu.memory_space<vmem>>) target(%dma_start3A_76 : memref<800x32xf32, #tpu.memory_space<hbm>>) target_semaphore(%arg16 : memref<!tpu.dma_semaphore, #tpu.memory_space<semaphore_mem>>)
      %dma_wait3A_77 = arith.constant 0 : i32
      %dma_wait3A_78 = tpu.memref_slice %arg6[%add3A_14, %dma_wait3A_77] : memref<409600x128xf32, #tpu.memory_space<hbm>> -> memref<800x32xf32, #tpu.memory_space<hbm>>
      %dma_wait3A_79 = arith.constant 0 : i32
      %dma_wait3A_80 = tpu.memref_slice %arg6[%add3A_14, %dma_wait3A_79] : memref<409600x128xf32, #tpu.memory_space<hbm>> -> memref<800x32xf32, #tpu.memory_space<hbm>>
      tpu.wait_dma2 semaphore(%arg16 : memref<!tpu.dma_semaphore, #tpu.memory_space<semaphore_mem>>) src(%arg11 : memref<800x32xf32, #tpu.memory_space<vmem>>) dst(%dma_wait3A_80 : memref<800x32xf32, #tpu.memory_space<hbm>>)
      %dma_wait3A_81 = arith.constant 32 : i32
      %dma_wait3A_82 = tpu.memref_slice %arg6[%add3A_14, %dma_wait3A_81] : memref<409600x128xf32, #tpu.memory_space<hbm>> -> memref<800x32xf32, #tpu.memory_space<hbm>>
      %dma_wait3A_83 = arith.constant 32 : i32
      %dma_wait3A_84 = tpu.memref_slice %arg6[%add3A_14, %dma_wait3A_83] : memref<409600x128xf32, #tpu.memory_space<hbm>> -> memref<800x32xf32, #tpu.memory_space<hbm>>
      tpu.wait_dma2 semaphore(%arg16 : memref<!tpu.dma_semaphore, #tpu.memory_space<semaphore_mem>>) src(%arg12 : memref<800x32xf32, #tpu.memory_space<vmem>>) dst(%dma_wait3A_84 : memref<800x32xf32, #tpu.memory_space<hbm>>)
      %dma_wait3A_85 = arith.constant 64 : i32
      %dma_wait3A_86 = tpu.memref_slice %arg6[%add3A_14, %dma_wait3A_85] : memref<409600x128xf32, #tpu.memory_space<hbm>> -> memref<800x32xf32, #tpu.memory_space<hbm>>
      %dma_wait3A_87 = arith.constant 64 : i32
      %dma_wait3A_88 = tpu.memref_slice %arg6[%add3A_14, %dma_wait3A_87] : memref<409600x128xf32, #tpu.memory_space<hbm>> -> memref<800x32xf32, #tpu.memory_space<hbm>>
      tpu.wait_dma2 semaphore(%arg16 : memref<!tpu.dma_semaphore, #tpu.memory_space<semaphore_mem>>) src(%arg13 : memref<800x32xf32, #tpu.memory_space<vmem>>) dst(%dma_wait3A_88 : memref<800x32xf32, #tpu.memory_space<hbm>>)
      %dma_wait3A_89 = arith.constant 96 : i32
      %dma_wait3A_90 = tpu.memref_slice %arg6[%add3A_14, %dma_wait3A_89] : memref<409600x128xf32, #tpu.memory_space<hbm>> -> memref<800x32xf32, #tpu.memory_space<hbm>>
      %dma_wait3A_91 = arith.constant 96 : i32
      %dma_wait3A_92 = tpu.memref_slice %arg6[%add3A_14, %dma_wait3A_91] : memref<409600x128xf32, #tpu.memory_space<hbm>> -> memref<800x32xf32, #tpu.memory_space<hbm>>
      tpu.wait_dma2 semaphore(%arg16 : memref<!tpu.dma_semaphore, #tpu.memory_space<semaphore_mem>>) src(%arg14 : memref<800x32xf32, #tpu.memory_space<vmem>>) dst(%dma_wait3A_92 : memref<800x32xf32, #tpu.memory_space<hbm>>)
    }
    %scan3A_6 = arith.constant 16 : i32
    return
  }
}

#map = affine_map<(d0) -> (0, 0)>
#map1 = affine_map<(d0) -> (0)>
module attributes {stable_mosaic.version = 14 : i64} {
  func.func @q_kernel(%arg0: i32, %arg1: memref<1000000x32xf32, #tpu.memory_space<hbm>>, %arg2: memref<1000x32xf32, #tpu.memory_space<hbm>>, %arg3: memref<4096xi32, #tpu.memory_space<hbm>>, %arg4: memref<4096xi32, #tpu.memory_space<hbm>>, %arg5: memref<4096x32xf32, #tpu.memory_space<hbm>>, %arg6: memref<4096x32xf32, #tpu.memory_space<hbm>>, %arg7: memref<2048xi32, #tpu.memory_space<smem>>, %arg8: memref<!tpu.dma_semaphore, #tpu.memory_space<semaphore_mem>>, %arg9: memref<!tpu.dma_semaphore, #tpu.memory_space<semaphore_mem>>) attributes {dimension_semantics = [#tpu.dimension_semantics<core_parallel>], iteration_bounds = array<i64: 2>, scalar_prefetch = 0 : i64, scratch_operands = 3 : i64, tpu.core_type = #tpu.core_type<sc_scalar_subcore>, window_params = [{transform_indices = #map}, {transform_indices = #map}, {transform_indices = #map1}, {transform_indices = #map1}, {transform_indices = #map}, {transform_indices = #map}]} {
    %mul3A = arith.constant 2048 : i32
    %mul3A_0 = arith.muli %arg0, %mul3A : i32
    %dma_start3A = tpu.memref_slice %arg3[%mul3A_0] : memref<4096xi32, #tpu.memory_space<hbm>> -> memref<2048xi32, #tpu.memory_space<hbm>>
    tpu.enqueue_dma source(%dma_start3A : memref<2048xi32, #tpu.memory_space<hbm>>) target(%arg7 : memref<2048xi32, #tpu.memory_space<smem>>) target_semaphore(%arg9 : memref<!tpu.dma_semaphore, #tpu.memory_space<semaphore_mem>>)
    %dma_wait3A = tpu.memref_slice %arg3[%mul3A_0] : memref<4096xi32, #tpu.memory_space<hbm>> -> memref<2048xi32, #tpu.memory_space<hbm>>
    tpu.wait_dma2 semaphore(%arg9 : memref<!tpu.dma_semaphore, #tpu.memory_space<semaphore_mem>>) src(%dma_wait3A : memref<2048xi32, #tpu.memory_space<hbm>>) dst(%arg7 : memref<2048xi32, #tpu.memory_space<smem>>)
    %scan3A = arith.constant 0 : i32
    %scan3A_1 = arith.constant 2048 : i32
    %scan3A_2 = arith.addi %scan3A, %scan3A_1 : i32
    %scan3A_3 = arith.constant 1 : i32
    scf.for %scan3A_22 = %scan3A to %scan3A_2 step %scan3A_3  : i32 {
      %mul3A_23 = arith.constant 1 : i32
      %mul3A_24 = arith.muli %scan3A_22, %mul3A_23 : i32
      %add3A = arith.constant 0 : i32
      %add3A_25 = arith.addi %add3A, %mul3A_24 : i32
      %get3A = arith.index_cast %add3A_25 : i32 to index
      %get3A_26 = memref.load %arg7[%get3A] : memref<2048xi32, #tpu.memory_space<smem>>
      %add3A_27 = arith.addi %mul3A_0, %add3A_25 : i32
      %dma_start3A_28 = arith.constant 0 : i32
      %dma_start3A_29 = tpu.memref_slice %arg5[%add3A_27, %dma_start3A_28] : memref<4096x32xf32, #tpu.memory_space<hbm>> -> memref<1x32xf32, #tpu.memory_space<hbm>>
      %dma_start3A_30 = arith.constant 0 : i32
      %dma_start3A_31 = tpu.memref_slice %arg1[%get3A_26, %dma_start3A_30] : memref<1000000x32xf32, #tpu.memory_space<hbm>> -> memref<1x32xf32, #tpu.memory_space<hbm>>
      tpu.enqueue_dma source(%dma_start3A_31 : memref<1x32xf32, #tpu.memory_space<hbm>>) target(%dma_start3A_29 : memref<1x32xf32, #tpu.memory_space<hbm>>) target_semaphore(%arg8 : memref<!tpu.dma_semaphore, #tpu.memory_space<semaphore_mem>>)
    }
    %scan3A_4 = arith.constant 2048 : i32
    %dma_wait3A_5 = arith.constant 0 : i32
    %dma_wait3A_6 = tpu.memref_slice %arg5[%mul3A_0, %dma_wait3A_5] : memref<4096x32xf32, #tpu.memory_space<hbm>> -> memref<2048x32xf32, #tpu.memory_space<hbm>>
    %dma_wait3A_7 = arith.constant 0 : i32
    %dma_wait3A_8 = arith.constant 0 : i32
    %dma_wait3A_9 = tpu.memref_slice %arg1[%dma_wait3A_7, %dma_wait3A_8] : memref<1000000x32xf32, #tpu.memory_space<hbm>> -> memref<2048x32xf32, #tpu.memory_space<hbm>>
    tpu.wait_dma2 semaphore(%arg8 : memref<!tpu.dma_semaphore, #tpu.memory_space<semaphore_mem>>) src(%dma_wait3A_9 : memref<2048x32xf32, #tpu.memory_space<hbm>>) dst(%dma_wait3A_6 : memref<2048x32xf32, #tpu.memory_space<hbm>>)
    %dma_start3A_10 = tpu.memref_slice %arg4[%mul3A_0] : memref<4096xi32, #tpu.memory_space<hbm>> -> memref<2048xi32, #tpu.memory_space<hbm>>
    tpu.enqueue_dma source(%dma_start3A_10 : memref<2048xi32, #tpu.memory_space<hbm>>) target(%arg7 : memref<2048xi32, #tpu.memory_space<smem>>) target_semaphore(%arg9 : memref<!tpu.dma_semaphore, #tpu.memory_space<semaphore_mem>>)
    %dma_wait3A_11 = tpu.memref_slice %arg4[%mul3A_0] : memref<4096xi32, #tpu.memory_space<hbm>> -> memref<2048xi32, #tpu.memory_space<hbm>>
    tpu.wait_dma2 semaphore(%arg9 : memref<!tpu.dma_semaphore, #tpu.memory_space<semaphore_mem>>) src(%dma_wait3A_11 : memref<2048xi32, #tpu.memory_space<hbm>>) dst(%arg7 : memref<2048xi32, #tpu.memory_space<smem>>)
    %scan3A_12 = arith.constant 0 : i32
    %scan3A_13 = arith.constant 2048 : i32
    %scan3A_14 = arith.addi %scan3A_12, %scan3A_13 : i32
    %scan3A_15 = arith.constant 1 : i32
    scf.for %scan3A_22 = %scan3A_12 to %scan3A_14 step %scan3A_15  : i32 {
      %mul3A_23 = arith.constant 1 : i32
      %mul3A_24 = arith.muli %scan3A_22, %mul3A_23 : i32
      %add3A = arith.constant 0 : i32
      %add3A_25 = arith.addi %add3A, %mul3A_24 : i32
      %get3A = arith.index_cast %add3A_25 : i32 to index
      %get3A_26 = memref.load %arg7[%get3A] : memref<2048xi32, #tpu.memory_space<smem>>
      %add3A_27 = arith.addi %mul3A_0, %add3A_25 : i32
      %dma_start3A_28 = arith.constant 0 : i32
      %dma_start3A_29 = tpu.memref_slice %arg6[%add3A_27, %dma_start3A_28] : memref<4096x32xf32, #tpu.memory_space<hbm>> -> memref<1x32xf32, #tpu.memory_space<hbm>>
      %dma_start3A_30 = arith.constant 0 : i32
      %dma_start3A_31 = tpu.memref_slice %arg2[%get3A_26, %dma_start3A_30] : memref<1000x32xf32, #tpu.memory_space<hbm>> -> memref<1x32xf32, #tpu.memory_space<hbm>>
      tpu.enqueue_dma source(%dma_start3A_31 : memref<1x32xf32, #tpu.memory_space<hbm>>) target(%dma_start3A_29 : memref<1x32xf32, #tpu.memory_space<hbm>>) target_semaphore(%arg8 : memref<!tpu.dma_semaphore, #tpu.memory_space<semaphore_mem>>)
    }
    %scan3A_16 = arith.constant 2048 : i32
    %dma_wait3A_17 = arith.constant 0 : i32
    %dma_wait3A_18 = tpu.memref_slice %arg6[%mul3A_0, %dma_wait3A_17] : memref<4096x32xf32, #tpu.memory_space<hbm>> -> memref<2048x32xf32, #tpu.memory_space<hbm>>
    %dma_wait3A_19 = arith.constant 0 : i32
    %dma_wait3A_20 = arith.constant 0 : i32
    %dma_wait3A_21 = tpu.memref_slice %arg2[%dma_wait3A_19, %dma_wait3A_20] : memref<1000x32xf32, #tpu.memory_space<hbm>> -> memref<2048x32xf32, #tpu.memory_space<hbm>>
    tpu.wait_dma2 semaphore(%arg8 : memref<!tpu.dma_semaphore, #tpu.memory_space<semaphore_mem>>) src(%dma_wait3A_21 : memref<2048x32xf32, #tpu.memory_space<hbm>>) dst(%dma_wait3A_18 : memref<2048x32xf32, #tpu.memory_space<hbm>>)
    return
  }
}

module attributes {stable_mosaic.version = 14 : i64} {
  func.func @_att_body(%arg0: i32, %arg1: memref<64x32xf32, #tpu.memory_space<vmem>>, %arg2: memref<64x32xf32, #tpu.memory_space<vmem>>, %arg3: memref<64x32xf32, #tpu.memory_space<vmem>>, %arg4: memref<64x32xf32, #tpu.memory_space<vmem>>, %arg5: memref<12800x128xf32, #tpu.memory_space<vmem>>, %arg6: memref<1x1x64xi32, #tpu.memory_space<vmem>>, %arg7: memref<1x1x64xi32, #tpu.memory_space<vmem>>, %arg8: memref<128x160xf32, #tpu.memory_space<vmem>>, %arg9: memref<1x160xf32, #tpu.memory_space<vmem>>, %arg10: memref<128x160xf32, #tpu.memory_space<vmem>>, %arg11: memref<128x160xf32, #tpu.memory_space<vmem>>, %arg12: memref<160x80xf32, #tpu.memory_space<vmem>>, %arg13: memref<1x80xf32, #tpu.memory_space<vmem>>, %arg14: memref<1x80xf32, #tpu.memory_space<vmem>>, %arg15: memref<1x80xf32, #tpu.memory_space<vmem>>, %arg16: memref<1x8xf32, #tpu.memory_space<vmem>>, %arg17: memref<64x128xf32, #tpu.memory_space<vmem>>) attributes {dimension_semantics = [#tpu.dimension_semantics<arbitrary>], iteration_bounds = array<i64: 32>, scalar_prefetch = 0 : i64, scratch_operands = 0 : i64, tpu.core_type = #tpu.core_type<tc>, window_params = [{transform_indices = @transform_0, window_bounds = array<i64: 64, 32>}, {transform_indices = @transform_1, window_bounds = array<i64: 64, 32>}, {transform_indices = @transform_2, window_bounds = array<i64: 64, 32>}, {transform_indices = @transform_3, window_bounds = array<i64: 64, 32>}, {transform_indices = @transform_4, window_bounds = array<i64: 12800, 128>}, {transform_indices = @transform_5, window_bounds = array<i64: 1, 1, 64>}, {transform_indices = @transform_6, window_bounds = array<i64: 1, 1, 64>}, {pipeline_mode = #tpu.pipeline_mode<synchronous>, transform_indices = @transform_7, window_bounds = array<i64: 128, 160>}, {pipeline_mode = #tpu.pipeline_mode<synchronous>, transform_indices = @transform_8, window_bounds = array<i64: 1, 160>}, {pipeline_mode = #tpu.pipeline_mode<synchronous>, transform_indices = @transform_9, window_bounds = array<i64: 128, 160>}, {pipeline_mode = #tpu.pipeline_mode<synchronous>, transform_indices = @transform_10, window_bounds = array<i64: 128, 160>}, {pipeline_mode = #tpu.pipeline_mode<synchronous>, transform_indices = @transform_11, window_bounds = array<i64: 160, 80>}, {pipeline_mode = #tpu.pipeline_mode<synchronous>, transform_indices = @transform_12, window_bounds = array<i64: 1, 80>}, {pipeline_mode = #tpu.pipeline_mode<synchronous>, transform_indices = @transform_13, window_bounds = array<i64: 1, 80>}, {pipeline_mode = #tpu.pipeline_mode<synchronous>, transform_indices = @transform_14, window_bounds = array<i64: 1, 80>}, {pipeline_mode = #tpu.pipeline_mode<synchronous>, transform_indices = @transform_15, window_bounds = array<i64: 1, 8>}, {transform_indices = @transform_16, window_bounds = array<i64: 64, 128>}]} {
    %get3A = arith.constant 0 : index
    %get3A_0 = arith.constant 0 : index
    %get3A_1 = vector.load %arg16[%get3A, %get3A_0] : memref<1x8xf32, #tpu.memory_space<vmem>>, vector<1x1xf32>
    %get3A_2 = vector.extract %get3A_1[0, 0] : f32 from vector<1x1xf32>
    %get3A_3 = arith.constant 0 : index
    %get3A_4 = arith.constant 1 : index
    %get3A_5 = vector.load %arg16[%get3A_3, %get3A_4] : memref<1x8xf32, #tpu.memory_space<vmem>>, vector<1x1xf32>
    %get3A_6 = vector.extract %get3A_5[0, 0] : f32 from vector<1x1xf32>
    %get3A_7 = arith.constant 0 : index
    %get3A_8 = arith.constant 2 : index
    %get3A_9 = vector.load %arg16[%get3A_7, %get3A_8] : memref<1x8xf32, #tpu.memory_space<vmem>>, vector<1x1xf32>
    %get3A_10 = vector.extract %get3A_9[0, 0] : f32 from vector<1x1xf32>
    %get3A_11 = arith.constant 0 : index
    %get3A_12 = arith.constant 0 : index
    %get3A_13 = vector.load %arg1[%get3A_11, %get3A_12] : memref<64x32xf32, #tpu.memory_space<vmem>>, vector<64x32xf32>
    %get3A_14 = arith.constant 0 : index
    %get3A_15 = arith.constant 0 : index
    %get3A_16 = vector.load %arg2[%get3A_14, %get3A_15] : memref<64x32xf32, #tpu.memory_space<vmem>>, vector<64x32xf32>
    %get3A_17 = arith.constant 0 : index
    %get3A_18 = arith.constant 0 : index
    %get3A_19 = vector.load %arg3[%get3A_17, %get3A_18] : memref<64x32xf32, #tpu.memory_space<vmem>>, vector<64x32xf32>
    %get3A_20 = arith.constant 0 : index
    %get3A_21 = arith.constant 0 : index
    %get3A_22 = vector.load %arg4[%get3A_20, %get3A_21] : memref<64x32xf32, #tpu.memory_space<vmem>>, vector<64x32xf32>
    %concatenate3A = tpu.concatenate %get3A_13, %get3A_16, %get3A_19, %get3A_22 in 1 : vector<64x32xf32>, vector<64x32xf32>, vector<64x32xf32>, vector<64x32xf32> -> vector<64x128xf32>
    %get3A_23 = arith.constant 0 : index
    %get3A_24 = arith.constant 0 : index
    %get3A_25 = vector.load %arg8[%get3A_23, %get3A_24] : memref<128x160xf32, #tpu.memory_space<vmem>>, vector<128x160xf32>
    %dot_general3A = arith.constant dense<0.000000e+00> : vector<64x160xf32>
    %dot_general3A_26 = tpu.matmul %concatenate3A, %get3A_25, %dot_general3A {dimension_numbers = #tpu.dot_dimension_numbers<[1], [0], [0], [1], [0, 0, 1, 1], [], []>, transpose_lhs_hint = false} : vector<64x128xf32>, vector<128x160xf32>, vector<64x160xf32> -> vector<64x160xf32>
    %get3A_27 = arith.constant 0 : index
    %get3A_28 = arith.constant 0 : index
    %get3A_29 = vector.load %arg9[%get3A_27, %get3A_28] : memref<1x160xf32, #tpu.memory_space<vmem>>, vector<1x160xf32>
    %add3A = vector.broadcast %get3A_29 : vector<1x160xf32> to vector<64x160xf32>
    %add3A_30 = arith.addf %dot_general3A_26, %add3A : vector<64x160xf32>
    %get3A_31 = arith.constant 0 : index
    %get3A_32 = arith.constant 0 : index
    %get3A_33 = vector.load %arg5[%get3A_31, %get3A_32] : memref<12800x128xf32, #tpu.memory_space<vmem>>, vector<12800x128xf32>
    %reshape3A = vector.shape_cast %get3A_33 : vector<12800x128xf32> to vector<64x200x128xf32>
    %broadcast_in_dim3A = vector.shape_cast %concatenate3A : vector<64x128xf32> to vector<64x1x128xf32>
    %mul3A = vector.broadcast %broadcast_in_dim3A : vector<64x1x128xf32> to vector<64x200x128xf32>
    %mul3A_34 = arith.mulf %reshape3A, %mul3A : vector<64x200x128xf32>
    %reshape3A_35 = vector.shape_cast %mul3A_34 : vector<64x200x128xf32> to vector<12800x128xf32>
    %get3A_36 = arith.constant 0 : index
    %get3A_37 = arith.constant 0 : index
    %get3A_38 = vector.load %arg10[%get3A_36, %get3A_37] : memref<128x160xf32, #tpu.memory_space<vmem>>, vector<128x160xf32>
    %dot_general3A_39 = arith.constant dense<0.000000e+00> : vector<12800x160xf32>
    %dot_general3A_40 = tpu.matmul %get3A_33, %get3A_38, %dot_general3A_39 {dimension_numbers = #tpu.dot_dimension_numbers<[1], [0], [0], [1], [0, 0, 1, 1], [], []>, transpose_lhs_hint = false} : vector<12800x128xf32>, vector<128x160xf32>, vector<12800x160xf32> -> vector<12800x160xf32>
    %get3A_41 = arith.constant 0 : index
    %get3A_42 = arith.constant 0 : index
    %get3A_43 = vector.load %arg11[%get3A_41, %get3A_42] : memref<128x160xf32, #tpu.memory_space<vmem>>, vector<128x160xf32>
    %dot_general3A_44 = arith.constant dense<0.000000e+00> : vector<12800x160xf32>
    %dot_general3A_45 = tpu.matmul %reshape3A_35, %get3A_43, %dot_general3A_44 {dimension_numbers = #tpu.dot_dimension_numbers<[1], [0], [0], [1], [0, 0, 1, 1], [], []>, transpose_lhs_hint = false} : vector<12800x128xf32>, vector<128x160xf32>, vector<12800x160xf32> -> vector<12800x160xf32>
    %add3A_46 = arith.addf %dot_general3A_40, %dot_general3A_45 : vector<12800x160xf32>
    %reshape3A_47 = vector.shape_cast %add3A_46 : vector<12800x160xf32> to vector<64x200x160xf32>
    %broadcast_in_dim3A_48 = vector.shape_cast %add3A_30 : vector<64x160xf32> to vector<64x1x160xf32>
    %add3A_49 = vector.broadcast %broadcast_in_dim3A_48 : vector<64x1x160xf32> to vector<64x200x160xf32>
    %add3A_50 = arith.addf %reshape3A_47, %add3A_49 : vector<64x200x160xf32>
    %gt3A = arith.constant 0.000000e+00 : f32
    %gt3A_51 = vector.broadcast %gt3A : f32 to vector<64x200x160xf32>
    %gt3A_52 = arith.cmpf ogt, %add3A_50, %gt3A_51 : vector<64x200x160xf32>
    %mul3A_53 = vector.broadcast %get3A_2 : f32 to vector<64x200x160xf32>
    %mul3A_54 = arith.mulf %mul3A_53, %add3A_50 : vector<64x200x160xf32>
    %select_n3A = arith.select %gt3A_52, %add3A_50, %mul3A_54 : vector<64x200x160xi1>, vector<64x200x160xf32>
    %reshape3A_55 = vector.shape_cast %select_n3A : vector<64x200x160xf32> to vector<12800x160xf32>
    %get3A_56 = arith.constant 0 : index
    %get3A_57 = arith.constant 0 : index
    %get3A_58 = vector.load %arg12[%get3A_56, %get3A_57] : memref<160x80xf32, #tpu.memory_space<vmem>>, vector<160x80xf32>
    %dot_general3A_59 = arith.constant dense<0.000000e+00> : vector<12800x80xf32>
    %dot_general3A_60 = tpu.matmul %reshape3A_55, %get3A_58, %dot_general3A_59 {dimension_numbers = #tpu.dot_dimension_numbers<[1], [0], [0], [1], [0, 0, 1, 1], [], []>, transpose_lhs_hint = false} : vector<12800x160xf32>, vector<160x80xf32>, vector<12800x80xf32> -> vector<12800x80xf32>
    %get3A_61 = arith.constant 0 : index
    %get3A_62 = arith.constant 0 : index
    %get3A_63 = vector.load %arg13[%get3A_61, %get3A_62] : memref<1x80xf32, #tpu.memory_space<vmem>>, vector<1x80xf32>
    %add3A_64 = vector.broadcast %get3A_63 : vector<1x80xf32> to vector<12800x80xf32>
    %add3A_65 = arith.addf %dot_general3A_60, %add3A_64 : vector<12800x80xf32>
    %gt3A_66 = arith.constant 0.000000e+00 : f32
    %gt3A_67 = vector.broadcast %gt3A_66 : f32 to vector<12800x80xf32>
    %gt3A_68 = arith.cmpf ogt, %add3A_65, %gt3A_67 : vector<12800x80xf32>
    %mul3A_69 = vector.broadcast %get3A_6 : f32 to vector<12800x80xf32>
    %mul3A_70 = arith.mulf %mul3A_69, %add3A_65 : vector<12800x80xf32>
    %select_n3A_71 = arith.select %gt3A_68, %add3A_65, %mul3A_70 : vector<12800x80xi1>, vector<12800x80xf32>
    %reshape3A_72 = vector.shape_cast %select_n3A_71 : vector<12800x80xf32> to vector<64x200x80xf32>
    %get3A_73 = arith.constant 0 : index
    %get3A_74 = arith.constant 0 : index
    %get3A_75 = vector.load %arg14[%get3A_73, %get3A_74] : memref<1x80xf32, #tpu.memory_space<vmem>>, vector<1x80xf32>
    %broadcast_in_dim3A_76 = vector.shape_cast %get3A_75 : vector<1x80xf32> to vector<1x1x80xf32>
    %mul3A_77 = vector.broadcast %broadcast_in_dim3A_76 : vector<1x1x80xf32> to vector<64x200x80xf32>
    %mul3A_78 = arith.mulf %reshape3A_72, %mul3A_77 : vector<64x200x80xf32>
    %reduce_sum3A = arith.constant dense<0.000000e+00> : vector<64x200xf32>
    %reduce_sum3A_79 = vector.multi_reduction <add>, %mul3A_78, %reduce_sum3A [2] : vector<64x200x80xf32> to vector<64x200xf32>
    %add3A_80 = vector.broadcast %get3A_10 : f32 to vector<64x200xf32>
    %add3A_81 = arith.addf %reduce_sum3A_79, %add3A_80 : vector<64x200xf32>
    %mul3A_82 = arith.constant 1.250000e-01 : f32
    %mul3A_83 = vector.broadcast %mul3A_82 : f32 to vector<64x200xf32>
    %mul3A_84 = arith.mulf %add3A_81, %mul3A_83 : vector<64x200xf32>
    %get3A_85 = arith.constant 0 : index
    %get3A_86 = arith.constant 0 : index
    %get3A_87 = vector.load %arg15[%get3A_85, %get3A_86] : memref<1x80xf32, #tpu.memory_space<vmem>>, vector<1x80xf32>
    %broadcast_in_dim3A_88 = vector.shape_cast %get3A_87 : vector<1x80xf32> to vector<1x1x80xf32>
    %mul3A_89 = vector.broadcast %broadcast_in_dim3A_88 : vector<1x1x80xf32> to vector<64x200x80xf32>
    %mul3A_90 = arith.mulf %reshape3A_72, %mul3A_89 : vector<64x200x80xf32>
    %reduce_sum3A_91 = arith.constant dense<0.000000e+00> : vector<64x200xf32>
    %reduce_sum3A_92 = vector.multi_reduction <add>, %mul3A_90, %reduce_sum3A_91 [2] : vector<64x200x80xf32> to vector<64x200xf32>
    %add3A_93 = vector.broadcast %get3A_10 : f32 to vector<64x200xf32>
    %add3A_94 = arith.addf %reduce_sum3A_92, %add3A_93 : vector<64x200xf32>
    %mul3A_95 = arith.constant 1.250000e-01 : f32
    %mul3A_96 = vector.broadcast %mul3A_95 : f32 to vector<64x200xf32>
    %mul3A_97 = arith.mulf %add3A_94, %mul3A_96 : vector<64x200xf32>
    %get3A_98 = arith.constant 0 : index
    %get3A_99 = arith.constant 0 : index
    %get3A_100 = arith.constant 0 : index
    %get3A_101 = vector.load %arg6[%get3A_98, %get3A_99, %get3A_100] : memref<1x1x64xi32, #tpu.memory_space<vmem>>, vector<1x1x64xi32>
    %get3A_102 = vector.shape_cast %get3A_101 : vector<1x1x64xi32> to vector<64xi32>
    %get3A_103 = arith.constant 0 : index
    %get3A_104 = arith.constant 0 : index
    %get3A_105 = arith.constant 0 : index
    %get3A_106 = vector.load %arg7[%get3A_103, %get3A_104, %get3A_105] : memref<1x1x64xi32, #tpu.memory_space<vmem>>, vector<1x1x64xi32>
    %get3A_107 = vector.shape_cast %get3A_106 : vector<1x1x64xi32> to vector<64xi32>
    %iota3A = tpu.iota {dimensions = array<i32: 1>} : vector<64x200xi32>
    %broadcast_in_dim3A_108 = vector.shape_cast %get3A_102 : vector<64xi32> to vector<64x1xi32>
    %lt3A = vector.broadcast %broadcast_in_dim3A_108 : vector<64x1xi32> to vector<64x200xi32>
    %lt3A_109 = arith.cmpi slt, %iota3A, %lt3A : vector<64x200xi32>
    %jit3A = arith.constant -1.000000e+09 : f32
    %broadcast_in_dim3A_110 = vector.broadcast %jit3A : f32 to vector<64x200xf32>
    %select_n3A_111 = arith.select %lt3A_109, %mul3A_84, %broadcast_in_dim3A_110 : vector<64x200xi1>, vector<64x200xf32>
    %broadcast_in_dim3A_112 = vector.shape_cast %get3A_107 : vector<64xi32> to vector<64x1xi32>
    %lt3A_113 = vector.broadcast %broadcast_in_dim3A_112 : vector<64x1xi32> to vector<64x200xi32>
    %lt3A_114 = arith.cmpi slt, %iota3A, %lt3A_113 : vector<64x200xi32>
    %jit3A_115 = arith.constant -1.000000e+09 : f32
    %broadcast_in_dim3A_116 = vector.broadcast %jit3A_115 : f32 to vector<64x200xf32>
    %select_n3A_117 = arith.select %lt3A_114, %mul3A_97, %broadcast_in_dim3A_116 : vector<64x200xi1>, vector<64x200xf32>
    %reduce_max3A = arith.constant dense<0xFF800000> : vector<64xf32>
    %reduce_max3A_118 = vector.multi_reduction <maximumf>, %select_n3A_111, %reduce_max3A [1] : vector<64x200xf32> to vector<64xf32>
    %broadcast_in_dim3A_119 = vector.shape_cast %reduce_max3A_118 : vector<64xf32> to vector<64x1xf32>
    %sub3A = vector.broadcast %broadcast_in_dim3A_119 : vector<64x1xf32> to vector<64x200xf32>
    %sub3A_120 = arith.subf %select_n3A_111, %sub3A : vector<64x200xf32>
    %exp3A = math.exp %sub3A_120 : vector<64x200xf32>
    %reduce_max3A_121 = arith.constant dense<0xFF800000> : vector<64xf32>
    %reduce_max3A_122 = vector.multi_reduction <maximumf>, %select_n3A_117, %reduce_max3A_121 [1] : vector<64x200xf32> to vector<64xf32>
    %broadcast_in_dim3A_123 = vector.shape_cast %reduce_max3A_122 : vector<64xf32> to vector<64x1xf32>
    %sub3A_124 = vector.broadcast %broadcast_in_dim3A_123 : vector<64x1xf32> to vector<64x200xf32>
    %sub3A_125 = arith.subf %select_n3A_117, %sub3A_124 : vector<64x200xf32>
    %exp3A_126 = math.exp %sub3A_125 : vector<64x200xf32>
    %reduce_sum3A_127 = arith.constant dense<0.000000e+00> : vector<64xf32>
    %reduce_sum3A_128 = vector.multi_reduction <add>, %exp3A, %reduce_sum3A_127 [1] : vector<64x200xf32> to vector<64xf32>
    %broadcast_in_dim3A_129 = vector.shape_cast %reduce_sum3A_128 : vector<64xf32> to vector<64x1xf32>
    %div3A = vector.broadcast %broadcast_in_dim3A_129 : vector<64x1xf32> to vector<64x200xf32>
    %div3A_130 = arith.divf %exp3A, %div3A : vector<64x200xf32>
    %reduce_sum3A_131 = arith.constant dense<0.000000e+00> : vector<64xf32>
    %reduce_sum3A_132 = vector.multi_reduction <add>, %exp3A_126, %reduce_sum3A_131 [1] : vector<64x200xf32> to vector<64xf32>
    %broadcast_in_dim3A_133 = vector.shape_cast %reduce_sum3A_132 : vector<64xf32> to vector<64x1xf32>
    %div3A_134 = vector.broadcast %broadcast_in_dim3A_133 : vector<64x1xf32> to vector<64x200xf32>
    %div3A_135 = arith.divf %exp3A_126, %div3A_134 : vector<64x200xf32>
    %iota3A_136 = tpu.iota {dimensions = array<i32: 2>} : vector<64x200x128xi32>
    %lt3A_137 = arith.constant 64 : i32
    %lt3A_138 = vector.broadcast %lt3A_137 : i32 to vector<64x200x128xi32>
    %lt3A_139 = arith.cmpi slt, %iota3A_136, %lt3A_138 : vector<64x200x128xi32>
    %broadcast_in_dim3A_140 = vector.shape_cast %div3A_130 : vector<64x200xf32> to vector<64x200x1xf32>
    %broadcast_in_dim3A_141 = vector.shape_cast %div3A_135 : vector<64x200xf32> to vector<64x200x1xf32>
    %broadcast_in_dim3A_142 = vector.shape_cast %broadcast_in_dim3A_140 : vector<64x200x1xf32> to vector<64x200x1xf32>
    %broadcast_in_dim3A_143 = vector.broadcast %broadcast_in_dim3A_142 : vector<64x200x1xf32> to vector<64x200x128xf32>
    %broadcast_in_dim3A_144 = vector.shape_cast %broadcast_in_dim3A_141 : vector<64x200x1xf32> to vector<64x200x1xf32>
    %broadcast_in_dim3A_145 = vector.broadcast %broadcast_in_dim3A_144 : vector<64x200x1xf32> to vector<64x200x128xf32>
    %select_n3A_146 = arith.select %lt3A_139, %broadcast_in_dim3A_143, %broadcast_in_dim3A_145 : vector<64x200x128xi1>, vector<64x200x128xf32>
    %mul3A_147 = arith.mulf %reshape3A, %select_n3A_146 : vector<64x200x128xf32>
    %reduce_sum3A_148 = arith.constant dense<0.000000e+00> : vector<64x128xf32>
    %reduce_sum3A_149 = vector.multi_reduction <add>, %mul3A_147, %reduce_sum3A_148 [1] : vector<64x200x128xf32> to vector<64x128xf32>
    %swap3A = arith.constant 0 : index
    %swap3A_150 = arith.constant 0 : index
    %swap3A_151 = vector.load %arg17[%swap3A, %swap3A_150] : memref<64x128xf32, #tpu.memory_space<vmem>>, vector<64x128xf32>
    tpu.vector_store %arg17[%swap3A, %swap3A_150], %reduce_sum3A_149 {strides = array<i32>} : memref<64x128xf32, #tpu.memory_space<vmem>>, vector<64x128xf32>,
    return
  }
  func.func @transform_0(%arg0: i32) -> (i32, i32) {
    %c0_i32 = arith.constant 0 : i32
    %c0_i32_0 = arith.constant 0 : i32
    return %arg0, %c0_i32 : i32, i32
  }
  func.func @transform_1(%arg0: i32) -> (i32, i32) {
    %c0_i32 = arith.constant 0 : i32
    %c0_i32_0 = arith.constant 0 : i32
    return %arg0, %c0_i32 : i32, i32
  }
  func.func @transform_2(%arg0: i32) -> (i32, i32) {
    %add3A = arith.constant 32 : i32
    %add3A_0 = arith.addi %arg0, %add3A : i32
    %c0_i32 = arith.constant 0 : i32
    %c0_i32_1 = arith.constant 0 : i32
    return %add3A_0, %c0_i32 : i32, i32
  }
  func.func @transform_3(%arg0: i32) -> (i32, i32) {
    %add3A = arith.constant 32 : i32
    %add3A_0 = arith.addi %arg0, %add3A : i32
    %c0_i32 = arith.constant 0 : i32
    %c0_i32_1 = arith.constant 0 : i32
    return %add3A_0, %c0_i32 : i32, i32
  }
  func.func @transform_4(%arg0: i32) -> (i32, i32) {
    %c0_i32 = arith.constant 0 : i32
    %c0_i32_0 = arith.constant 0 : i32
    return %arg0, %c0_i32 : i32, i32
  }
  func.func @transform_5(%arg0: i32) -> (i32, i32, i32) {
    %c0_i32 = arith.constant 0 : i32
    %c0_i32_0 = arith.constant 0 : i32
    %c0_i32_1 = arith.constant 0 : i32
    return %arg0, %c0_i32, %c0_i32_0 : i32, i32, i32
  }
  func.func @transform_6(%arg0: i32) -> (i32, i32, i32) {
    %add3A = arith.constant 32 : i32
    %add3A_0 = arith.addi %arg0, %add3A : i32
    %c0_i32 = arith.constant 0 : i32
    %c0_i32_1 = arith.constant 0 : i32
    %c0_i32_2 = arith.constant 0 : i32
    return %add3A_0, %c0_i32, %c0_i32_1 : i32, i32, i32
  }
  func.func @transform_7(%arg0: i32) -> (i32, i32) {
    %c0_i32 = arith.constant 0 : i32
    %c0_i32_0 = arith.constant 0 : i32
    %c0_i32_1 = arith.constant 0 : i32
    return %c0_i32, %c0_i32_0 : i32, i32
  }
  func.func @transform_8(%arg0: i32) -> (i32, i32) {
    %c0_i32 = arith.constant 0 : i32
    %c0_i32_0 = arith.constant 0 : i32
    %c0_i32_1 = arith.constant 0 : i32
    return %c0_i32, %c0_i32_0 : i32, i32
  }
  func.func @transform_9(%arg0: i32) -> (i32, i32) {
    %c0_i32 = arith.constant 0 : i32
    %c0_i32_0 = arith.constant 0 : i32
    %c0_i32_1 = arith.constant 0 : i32
    return %c0_i32, %c0_i32_0 : i32, i32
  }
  func.func @transform_10(%arg0: i32) -> (i32, i32) {
    %c0_i32 = arith.constant 0 : i32
    %c0_i32_0 = arith.constant 0 : i32
    %c0_i32_1 = arith.constant 0 : i32
    return %c0_i32, %c0_i32_0 : i32, i32
  }
  func.func @transform_11(%arg0: i32) -> (i32, i32) {
    %c0_i32 = arith.constant 0 : i32
    %c0_i32_0 = arith.constant 0 : i32
    %c0_i32_1 = arith.constant 0 : i32
    return %c0_i32, %c0_i32_0 : i32, i32
  }
  func.func @transform_12(%arg0: i32) -> (i32, i32) {
    %c0_i32 = arith.constant 0 : i32
    %c0_i32_0 = arith.constant 0 : i32
    %c0_i32_1 = arith.constant 0 : i32
    return %c0_i32, %c0_i32_0 : i32, i32
  }
  func.func @transform_13(%arg0: i32) -> (i32, i32) {
    %c0_i32 = arith.constant 0 : i32
    %c0_i32_0 = arith.constant 0 : i32
    %c0_i32_1 = arith.constant 0 : i32
    return %c0_i32, %c0_i32_0 : i32, i32
  }
  func.func @transform_14(%arg0: i32) -> (i32, i32) {
    %c0_i32 = arith.constant 0 : i32
    %c0_i32_0 = arith.constant 0 : i32
    %c0_i32_1 = arith.constant 0 : i32
    return %c0_i32, %c0_i32_0 : i32, i32
  }
  func.func @transform_15(%arg0: i32) -> (i32, i32) {
    %c0_i32 = arith.constant 0 : i32
    %c0_i32_0 = arith.constant 0 : i32
    %c0_i32_1 = arith.constant 0 : i32
    return %c0_i32, %c0_i32_0 : i32, i32
  }
  func.func @transform_16(%arg0: i32) -> (i32, i32) {
    %c0_i32 = arith.constant 0 : i32
    %c0_i32_0 = arith.constant 0 : i32
    return %arg0, %c0_i32 : i32, i32
  }
}

module attributes {stable_mosaic.version = 14 : i64} {
  func.func @_mlp_body(%arg0: memref<4096x1xf32, #tpu.memory_space<vmem>>, %arg1: memref<4096x32xf32, #tpu.memory_space<vmem>>, %arg2: memref<4096x32xf32, #tpu.memory_space<vmem>>, %arg3: memref<2048x128xf32, #tpu.memory_space<vmem>>, %arg4: memref<129x200xf32, #tpu.memory_space<vmem>>, %arg5: memref<1x200xf32, #tpu.memory_space<vmem>>, %arg6: memref<1x200xf32, #tpu.memory_space<vmem>>, %arg7: memref<1x200xf32, #tpu.memory_space<vmem>>, %arg8: memref<200x80xf32, #tpu.memory_space<vmem>>, %arg9: memref<1x80xf32, #tpu.memory_space<vmem>>, %arg10: memref<1x80xf32, #tpu.memory_space<vmem>>, %arg11: memref<1x80xf32, #tpu.memory_space<vmem>>, %arg12: memref<80x1xf32, #tpu.memory_space<vmem>>, %arg13: memref<1x8xf32, #tpu.memory_space<vmem>>, %arg14: memref<4096x1xf32, #tpu.memory_space<vmem>>) attributes {dimension_semantics = [], scalar_prefetch = 0 : i64, scratch_operands = 0 : i64, tpu.core_type = #tpu.core_type<tc>} {
    %get3A = arith.constant 0 : index
    %get3A_0 = arith.constant 0 : index
    %get3A_1 = vector.load %arg13[%get3A, %get3A_0] : memref<1x8xf32, #tpu.memory_space<vmem>>, vector<1x1xf32>
    %get3A_2 = vector.extract %get3A_1[0, 0] : f32 from vector<1x1xf32>
    %get3A_3 = arith.constant 0 : index
    %get3A_4 = arith.constant 1 : index
    %get3A_5 = vector.load %arg13[%get3A_3, %get3A_4] : memref<1x8xf32, #tpu.memory_space<vmem>>, vector<1x1xf32>
    %get3A_6 = vector.extract %get3A_5[0, 0] : f32 from vector<1x1xf32>
    %get3A_7 = arith.constant 0 : index
    %get3A_8 = arith.constant 2 : index
    %get3A_9 = vector.load %arg13[%get3A_7, %get3A_8] : memref<1x8xf32, #tpu.memory_space<vmem>>, vector<1x1xf32>
    %get3A_10 = vector.extract %get3A_9[0, 0] : f32 from vector<1x1xf32>
    %get3A_11 = arith.constant 0 : index
    %get3A_12 = arith.constant 0 : index
    %get3A_13 = vector.load %arg3[%get3A_11, %get3A_12] : memref<2048x128xf32, #tpu.memory_space<vmem>>, vector<2048x128xf32>
    %slice3A = vector.extract_strided_slice %get3A_13 {offsets = [0, 0], sizes = [2048, 64], strides = [1, 1]} : vector<2048x128xf32> to vector<2048x64xf32>
    %slice3A_14 = vector.extract_strided_slice %get3A_13 {offsets = [0, 64], sizes = [2048, 64], strides = [1, 1]} : vector<2048x128xf32> to vector<2048x64xf32>
    %concatenate3A = tpu.concatenate %slice3A, %slice3A_14 in 0 : vector<2048x64xf32>, vector<2048x64xf32> -> vector<4096x64xf32>
    %get3A_15 = arith.constant 0 : index
    %get3A_16 = arith.constant 0 : index
    %get3A_17 = vector.load %arg0[%get3A_15, %get3A_16] : memref<4096x1xf32, #tpu.memory_space<vmem>>, vector<4096x1xf32>
    %get3A_18 = arith.constant 0 : index
    %get3A_19 = arith.constant 0 : index
    %get3A_20 = vector.load %arg1[%get3A_18, %get3A_19] : memref<4096x32xf32, #tpu.memory_space<vmem>>, vector<4096x32xf32>
    %get3A_21 = arith.constant 0 : index
    %get3A_22 = arith.constant 0 : index
    %get3A_23 = vector.load %arg2[%get3A_21, %get3A_22] : memref<4096x32xf32, #tpu.memory_space<vmem>>, vector<4096x32xf32>
    %concatenate3A_24 = tpu.concatenate %get3A_17, %get3A_20, %get3A_23, %concatenate3A in 1 : vector<4096x1xf32>, vector<4096x32xf32>, vector<4096x32xf32>, vector<4096x64xf32> -> vector<4096x129xf32>
    %get3A_25 = arith.constant 0 : index
    %get3A_26 = arith.constant 0 : index
    %get3A_27 = vector.load %arg4[%get3A_25, %get3A_26] : memref<129x200xf32, #tpu.memory_space<vmem>>, vector<129x200xf32>
    %dot_general3A = arith.constant dense<0.000000e+00> : vector<4096x200xf32>
    %dot_general3A_28 = tpu.matmul %concatenate3A_24, %get3A_27, %dot_general3A {dimension_numbers = #tpu.dot_dimension_numbers<[1], [0], [0], [1], [0, 0, 1, 1], [], []>, transpose_lhs_hint = false} : vector<4096x129xf32>, vector<129x200xf32>, vector<4096x200xf32> -> vector<4096x200xf32>
    %get3A_29 = arith.constant 0 : index
    %get3A_30 = arith.constant 0 : index
    %get3A_31 = vector.load %arg5[%get3A_29, %get3A_30] : memref<1x200xf32, #tpu.memory_space<vmem>>, vector<1x200xf32>
    %add3A = vector.broadcast %get3A_31 : vector<1x200xf32> to vector<4096x200xf32>
    %add3A_32 = arith.addf %dot_general3A_28, %add3A : vector<4096x200xf32>
    %reduce_sum3A = arith.constant dense<0.000000e+00> : vector<200xf32>
    %reduce_sum3A_33 = vector.multi_reduction <add>, %add3A_32, %reduce_sum3A [0] : vector<4096x200xf32> to vector<200xf32>
    %broadcast_in_dim3A = vector.shape_cast %reduce_sum3A_33 : vector<200xf32> to vector<1x200xf32>
    %div3A = arith.constant 4.096000e+03 : f32
    %div3A_34 = vector.broadcast %div3A : f32 to vector<1x200xf32>
    %div3A_35 = arith.divf %broadcast_in_dim3A, %div3A_34 : vector<1x200xf32>
    %sub3A = vector.broadcast %div3A_35 : vector<1x200xf32> to vector<4096x200xf32>
    %sub3A_36 = arith.subf %add3A_32, %sub3A : vector<4096x200xf32>
    %integer_pow3A = arith.mulf %sub3A_36, %sub3A_36 : vector<4096x200xf32>
    %reduce_sum3A_37 = arith.constant dense<0.000000e+00> : vector<200xf32>
    %reduce_sum3A_38 = vector.multi_reduction <add>, %integer_pow3A, %reduce_sum3A_37 [0] : vector<4096x200xf32> to vector<200xf32>
    %broadcast_in_dim3A_39 = vector.shape_cast %reduce_sum3A_38 : vector<200xf32> to vector<1x200xf32>
    %div3A_40 = arith.constant 4.096000e+03 : f32
    %div3A_41 = vector.broadcast %div3A_40 : f32 to vector<1x200xf32>
    %div3A_42 = arith.divf %broadcast_in_dim3A_39, %div3A_41 : vector<1x200xf32>
    %get3A_43 = arith.constant 0 : index
    %get3A_44 = arith.constant 0 : index
    %get3A_45 = vector.load %arg6[%get3A_43, %get3A_44] : memref<1x200xf32, #tpu.memory_space<vmem>>, vector<1x200xf32>
    %sub3A_46 = vector.broadcast %div3A_35 : vector<1x200xf32> to vector<4096x200xf32>
    %sub3A_47 = arith.subf %add3A_32, %sub3A_46 : vector<4096x200xf32>
    %mul3A = vector.broadcast %get3A_45 : vector<1x200xf32> to vector<4096x200xf32>
    %mul3A_48 = arith.mulf %mul3A, %sub3A_47 : vector<4096x200xf32>
    %add3A_49 = arith.constant 9.99999974E-6 : f32
    %add3A_50 = vector.broadcast %add3A_49 : f32 to vector<1x200xf32>
    %add3A_51 = arith.addf %div3A_42, %add3A_50 : vector<1x200xf32>
    %sqrt3A = math.sqrt %add3A_51 : vector<1x200xf32>
    %div3A_52 = vector.broadcast %sqrt3A : vector<1x200xf32> to vector<4096x200xf32>
    %div3A_53 = arith.divf %mul3A_48, %div3A_52 : vector<4096x200xf32>
    %get3A_54 = arith.constant 0 : index
    %get3A_55 = arith.constant 0 : index
    %get3A_56 = vector.load %arg7[%get3A_54, %get3A_55] : memref<1x200xf32, #tpu.memory_space<vmem>>, vector<1x200xf32>
    %add3A_57 = vector.broadcast %get3A_56 : vector<1x200xf32> to vector<4096x200xf32>
    %add3A_58 = arith.addf %div3A_53, %add3A_57 : vector<4096x200xf32>
    %gt3A = arith.constant 0.000000e+00 : f32
    %gt3A_59 = vector.broadcast %gt3A : f32 to vector<4096x200xf32>
    %gt3A_60 = arith.cmpf ogt, %add3A_58, %gt3A_59 : vector<4096x200xf32>
    %mul3A_61 = vector.broadcast %get3A_2 : f32 to vector<4096x200xf32>
    %mul3A_62 = arith.mulf %mul3A_61, %add3A_58 : vector<4096x200xf32>
    %select_n3A = arith.select %gt3A_60, %add3A_58, %mul3A_62 : vector<4096x200xi1>, vector<4096x200xf32>
    %get3A_63 = arith.constant 0 : index
    %get3A_64 = arith.constant 0 : index
    %get3A_65 = vector.load %arg8[%get3A_63, %get3A_64] : memref<200x80xf32, #tpu.memory_space<vmem>>, vector<200x80xf32>
    %dot_general3A_66 = arith.constant dense<0.000000e+00> : vector<4096x80xf32>
    %dot_general3A_67 = tpu.matmul %select_n3A, %get3A_65, %dot_general3A_66 {dimension_numbers = #tpu.dot_dimension_numbers<[1], [0], [0], [1], [0, 0, 1, 1], [], []>, transpose_lhs_hint = false} : vector<4096x200xf32>, vector<200x80xf32>, vector<4096x80xf32> -> vector<4096x80xf32>
    %get3A_68 = arith.constant 0 : index
    %get3A_69 = arith.constant 0 : index
    %get3A_70 = vector.load %arg9[%get3A_68, %get3A_69] : memref<1x80xf32, #tpu.memory_space<vmem>>, vector<1x80xf32>
    %add3A_71 = vector.broadcast %get3A_70 : vector<1x80xf32> to vector<4096x80xf32>
    %add3A_72 = arith.addf %dot_general3A_67, %add3A_71 : vector<4096x80xf32>
    %reduce_sum3A_73 = arith.constant dense<0.000000e+00> : vector<80xf32>
    %reduce_sum3A_74 = vector.multi_reduction <add>, %add3A_72, %reduce_sum3A_73 [0] : vector<4096x80xf32> to vector<80xf32>
    %broadcast_in_dim3A_75 = vector.shape_cast %reduce_sum3A_74 : vector<80xf32> to vector<1x80xf32>
    %div3A_76 = arith.constant 4.096000e+03 : f32
    %div3A_77 = vector.broadcast %div3A_76 : f32 to vector<1x80xf32>
    %div3A_78 = arith.divf %broadcast_in_dim3A_75, %div3A_77 : vector<1x80xf32>
    %sub3A_79 = vector.broadcast %div3A_78 : vector<1x80xf32> to vector<4096x80xf32>
    %sub3A_80 = arith.subf %add3A_72, %sub3A_79 : vector<4096x80xf32>
    %integer_pow3A_81 = arith.mulf %sub3A_80, %sub3A_80 : vector<4096x80xf32>
    %reduce_sum3A_82 = arith.constant dense<0.000000e+00> : vector<80xf32>
    %reduce_sum3A_83 = vector.multi_reduction <add>, %integer_pow3A_81, %reduce_sum3A_82 [0] : vector<4096x80xf32> to vector<80xf32>
    %broadcast_in_dim3A_84 = vector.shape_cast %reduce_sum3A_83 : vector<80xf32> to vector<1x80xf32>
    %div3A_85 = arith.constant 4.096000e+03 : f32
    %div3A_86 = vector.broadcast %div3A_85 : f32 to vector<1x80xf32>
    %div3A_87 = arith.divf %broadcast_in_dim3A_84, %div3A_86 : vector<1x80xf32>
    %get3A_88 = arith.constant 0 : index
    %get3A_89 = arith.constant 0 : index
    %get3A_90 = vector.load %arg10[%get3A_88, %get3A_89] : memref<1x80xf32, #tpu.memory_space<vmem>>, vector<1x80xf32>
    %sub3A_91 = vector.broadcast %div3A_78 : vector<1x80xf32> to vector<4096x80xf32>
    %sub3A_92 = arith.subf %add3A_72, %sub3A_91 : vector<4096x80xf32>
    %mul3A_93 = vector.broadcast %get3A_90 : vector<1x80xf32> to vector<4096x80xf32>
    %mul3A_94 = arith.mulf %mul3A_93, %sub3A_92 : vector<4096x80xf32>
    %add3A_95 = arith.constant 9.99999974E-6 : f32
    %add3A_96 = vector.broadcast %add3A_95 : f32 to vector<1x80xf32>
    %add3A_97 = arith.addf %div3A_87, %add3A_96 : vector<1x80xf32>
    %sqrt3A_98 = math.sqrt %add3A_97 : vector<1x80xf32>
    %div3A_99 = vector.broadcast %sqrt3A_98 : vector<1x80xf32> to vector<4096x80xf32>
    %div3A_100 = arith.divf %mul3A_94, %div3A_99 : vector<4096x80xf32>
    %get3A_101 = arith.constant 0 : index
    %get3A_102 = arith.constant 0 : index
    %get3A_103 = vector.load %arg11[%get3A_101, %get3A_102] : memref<1x80xf32, #tpu.memory_space<vmem>>, vector<1x80xf32>
    %add3A_104 = vector.broadcast %get3A_103 : vector<1x80xf32> to vector<4096x80xf32>
    %add3A_105 = arith.addf %div3A_100, %add3A_104 : vector<4096x80xf32>
    %gt3A_106 = arith.constant 0.000000e+00 : f32
    %gt3A_107 = vector.broadcast %gt3A_106 : f32 to vector<4096x80xf32>
    %gt3A_108 = arith.cmpf ogt, %add3A_105, %gt3A_107 : vector<4096x80xf32>
    %mul3A_109 = vector.broadcast %get3A_6 : f32 to vector<4096x80xf32>
    %mul3A_110 = arith.mulf %mul3A_109, %add3A_105 : vector<4096x80xf32>
    %select_n3A_111 = arith.select %gt3A_108, %add3A_105, %mul3A_110 : vector<4096x80xi1>, vector<4096x80xf32>
    %get3A_112 = arith.constant 0 : index
    %get3A_113 = arith.constant 0 : index
    %get3A_114 = vector.load %arg12[%get3A_112, %get3A_113] : memref<80x1xf32, #tpu.memory_space<vmem>>, vector<80x1xf32>
    %dot_general3A_115 = arith.constant dense<0.000000e+00> : vector<4096x1xf32>
    %dot_general3A_116 = tpu.matmul %select_n3A_111, %get3A_114, %dot_general3A_115 {dimension_numbers = #tpu.dot_dimension_numbers<[1], [0], [0], [1], [0, 0, 1, 1], [], []>, transpose_lhs_hint = false} : vector<4096x80xf32>, vector<80x1xf32>, vector<4096x1xf32> -> vector<4096x1xf32>
    %add3A_117 = vector.broadcast %get3A_10 : f32 to vector<4096x1xf32>
    %add3A_118 = arith.addf %dot_general3A_116, %add3A_117 : vector<4096x1xf32>
    %logistic3A = arith.negf %add3A_118 : vector<4096x1xf32>
    %logistic3A_119 = math.exp %logistic3A : vector<4096x1xf32>
    %logistic3A_120 = arith.constant 1.000000e+00 : f32
    %logistic3A_121 = vector.broadcast %logistic3A_120 : f32 to vector<4096x1xf32>
    %logistic3A_122 = arith.addf %logistic3A_121, %logistic3A_119 : vector<4096x1xf32>
    %logistic3A_123 = arith.divf %logistic3A_121, %logistic3A_122 : vector<4096x1xf32>
    %swap3A = arith.constant 0 : index
    %swap3A_124 = arith.constant 0 : index
    %swap3A_125 = vector.load %arg14[%swap3A, %swap3A_124] : memref<4096x1xf32, #tpu.memory_space<vmem>>, vector<4096x1xf32>
    tpu.vector_store %arg14[%swap3A, %swap3A_124], %logistic3A_123 {strides = array<i32>} : memref<4096x1xf32, #tpu.memory_space<vmem>>, vector<4096x1xf32>,
    return
  }
}

</mosaic_0001>

<sc_bundles>
// kernel: kernel.6.cloned.1.call-start
scs
__scs_entry_jumppad:
0x0: {  	(pc) =	sbr.rel $0x88, $3  }
0x1: {  	(tag) =	ssettag $0x0;
	lr =	simm.s32 $0x1  }
0x2: {  	[smem:$0x3F82] =	sst lr;
	_ =	strace $0xD0000000  }
0x3: {  	_ = 	snop  }
0x4: {  	_ = 	snop  }
0x5: {  	_ = 	snop  }
0x6: {  	_ = 	snop  }
0x7: {  	_ = 	snop  }
__scs_overlays_trampoline_lowered:
0x8: {  	[smem:$0x3F91] =	sst s0  }
0x9: {  	[smem:$0x3F92] =	sst s1  }
0xa: {  	[smem:$0x3F93] =	sst s2  }
0xb: {  	[smem:$0x3F94] =	sst s3  }
0xc: {  	[smem:$0x3F95] =	sst s4  }
0xd: {  	[smem:$0x3F96] =	sst s5  }
0xe: {  	[smem:$0x3F97] =	sst s6  }
0xf: {  	[smem:$0x3F98] =	sst s7  }
0x10: {  	[smem:$0x3F99] =	sst s8  }
0x11: {  	[smem:$0x3F9A] =	sst s9;
	s0 =	simm.s32 @!p0 $0x0  }
0x12: {  	s1 =	sld [smem:$0x3F80];
	s0 =	simm.s32 @p0 $0x1  }
0x13: {  	[smem:$0x3F9B] =	sst s0;
	s0 =	simm.s32 @!p1 $0x0  }
0x14: {  	s2 =	sld [smem:$0x3F7F];
	s0 =	simm.s32 @p1 $0x1  }
0x15: {  	[smem:$0x3F9C] =	sst s0;
	s0 =	simm.s32 @!p2 $0x0  }
0x16: {  	s3 =	sld [smem:$0x3FDB];
	s0 =	simm.s32 @p2 $0x1  }
0x17: {  	s4 =	simm.s32 $0x1BF5;
	[smem:$0x3F9E] =	sst s0  }
0x18: {  	s0 =	sld [smem:$0x3F81];
	_ =	swait.ge [sflag:s4], $0x0  }
0x19: {  	s7 =	sld [smem:$0x3F82]  }
0x1a: {  	s8 =	sadd.s32 $0xFFFFE003, lr  }
0x1b: {  	s9 =	sadd.s32 $0xFFFFFEF7, lr;
	s5 =	simm.s32 $0xFFFFFFFF;
	p2 =	slt.u32 s8, $0xFFFFF086  }
0x1c: {  	p1 =	slt.u32 s9, $0xF7A;
	s5 =	simm.s32 @!p2 $0x0  }
0x1d: {  	s5 =	simm.s32 @p1 $0x1;
	p0 =	seq.s32 s7, s2  }
0x1e: {  	s7 =	smul.u32 @!p0 $0xF7A, s2;
	p2 =	seq.s32 @!p0 s5, $0x0  }
0x1f: {  	s9 =	smul.u32 $0xF7A, s1;
	s8 =	simm.s32 @!p0 $0x1BF5;
	p2 =	por !p2, p0  }
0x20: {  	[sflag:s8] =	ssyncset.s32 @!p0 $0xFFFFF086;
	s6 =	sadd.s32 @!p0 s3, s7;
	s7 =	simm.s32 @!p0 $0x108  }
0x21: {  	s3 =	sadd.s32 s3, s9;
	s6 =	sadd.s32 @!p0 $0x88, s6;
	s7 =	simm.s32 @p2 $0x1082  }
0x22: {  	[simem:s7], [sflag:s8] =	dma.local @!p0 [hbm:s6], $0xF7A  }
0x23: {  	s9 =	sor.u32 $0xD0000000, s2;
	s6 =	simm.s32 $0x108;
	_ =	swait.ge @!p0 [sflag:s8], $0x0  }
0x24: {  	s3 =	sadd.s32 $0x88, s3;
	s6 =	simm.s32 @!p1 $0x1082;
	[sflag:s4] =	ssyncset.s32 $0xFFFFF086  }
0x25: {  	[simem:s6], [sflag:s4] =	dma.local [hbm:s3], $0xF7A  }
0x26: {  	[smem:$0x3F82] =	sst s1;
	(tag) =	ssettag s2;
	_ =	strace s9  }
0x27: {  	s1 =	sld [smem:$0x3F92]  }
0x28: {  	s2 =	sld [smem:$0x3F93]  }
0x29: {  	s4 =	sld [smem:$0x3F95]  }
0x2a: {  	p0 =	seq.s32 s5, $0x0;
	s5 =	sld [smem:$0x3F96]  }
0x2b: {  	s6 =	sld [smem:$0x3F97]  }
0x2c: {  	s7 =	sld [smem:$0x3F98]  }
0x2d: {  	s3 =	simm.s32 $0x108;
	s8 =	sld [smem:$0x3F99]  }
0x2e: {  	s3 =	simm.s32 @!p0 $0x1082;
	s9 =	sld [smem:$0x3F9A]  }
0x2f: {  	lr =	sadd.s32 s0, s3;
	s0 =	sld [smem:$0x3F91]  }
0x30: {  	s3 =	sld [smem:$0x3F94]  }
0x31: {  	[smem:$0x3F9D] =	sst s10  }
0x32: {  	s10 =	sld [smem:$0x3F9B];
	_ =	sdelay $0x3  }
0x33: {  	p0 =	seq.s32 s10, $0x1;
	s10 =	sld [smem:$0x3F9D];
	_ =	sdelay $0x3  }
0x34: {  	[smem:$0x3F9D] =	sst s10  }
0x35: {  	s10 =	sld [smem:$0x3F9C];
	_ =	sdelay $0x3  }
0x36: {  	p1 =	seq.s32 s10, $0x1;
	s10 =	sld [smem:$0x3F9D];
	_ =	sdelay $0x3  }
0x37: {  	[smem:$0x3F9D] =	sst s10  }
0x38: {  	s10 =	sld [smem:$0x3F9E]  }
0x39: {  	_ = 	snop;
	(pc) =	sbr.ind lr, $3  }
0x3a: {  	_ = 	snop  }
0x3b: {  	_ = 	snop  }
0x3c: {  	p2 =	seq.s32 s10, $0x1;
	s10 =	sld [smem:$0x3F9D]  }
0x3d: {  	_ =	shalt  }
0x3e: {  	_ =	shalt  }
0x3f: {  	_ =	shalt  }
0x40: {  	_ =	shalt  }
0x41: {  	_ =	shalt  }
0x42: {  	_ =	shalt  }
0x43: {  	_ =	shalt  }
0x44: {  	_ =	shalt  }
0x45: {  	_ =	shalt  }
0x46: {  	_ =	shalt  }
0x47: {  	_ =	shalt  }
0x48: {  	_ =	shalt  }
0x49: {  	_ =	shalt  }
0x4a: {  	_ =	shalt  }
0x4b: {  	_ =	shalt  }
0x4c: {  	_ =	shalt  }
0x4d: {  	_ =	shalt  }
0x4e: {  	_ =	shalt  }
0x4f: {  	_ =	shalt  }
0x50: {  	_ =	shalt  }
0x51: {  	_ =	shalt  }
0x52: {  	_ =	shalt  }
0x53: {  	_ =	shalt  }
0x54: {  	_ =	shalt  }
0x55: {  	_ =	shalt  }
0x56: {  	_ =	shalt  }
0x57: {  	_ =	shalt  }
0x58: {  	_ =	shalt  }
0x59: {  	_ =	shalt  }
0x5a: {  	_ =	shalt  }
0x5b: {  	_ =	shalt  }
0x5c: {  	_ =	shalt  }
0x5d: {  	_ =	shalt  }
0x5e: {  	_ =	shalt  }
0x5f: {  	_ =	shalt  }
0x60: {  	_ =	shalt  }
0x61: {  	_ =	shalt  }
0x62: {  	_ =	shalt  }
0x63: {  	_ =	shalt  }
0x64: {  	_ =	shalt  }
0x65: {  	_ =	shalt  }
0x66: {  	_ =	shalt  }
0x67: {  	_ =	shalt  }
0x68: {  	_ =	shalt  }
0x69: {  	_ =	shalt  }
0x6a: {  	_ =	shalt  }
0x6b: {  	_ =	shalt  }
0x6c: {  	_ =	shalt  }
0x6d: {  	_ =	shalt  }
0x6e: {  	_ =	shalt  }
0x6f: {  	_ =	shalt  }
0x70: {  	_ =	shalt  }
0x71: {  	_ =	shalt  }
0x72: {  	_ =	shalt  }
0x73: {  	_ =	shalt  }
0x74: {  	_ =	shalt  }
0x75: {  	_ =	shalt  }
0x76: {  	_ =	shalt  }
0x77: {  	_ =	shalt  }
0x78: {  	_ =	shalt  }
0x79: {  	_ =	shalt  }
0x7a: {  	_ =	shalt  }
0x7b: {  	_ =	shalt  }
0x7c: {  	_ =	shalt  }
0x7d: {  	_ =	shalt  }
0x7e: {  	_ =	shalt  }
0x7f: {  	_ =	shalt  }
0x80: {  	_ =	shalt  }
0x81: {  	_ =	shalt  }
0x82: {  	_ =	shalt  }
0x83: {  	_ =	shalt  }
0x84: {  	_ =	shalt  }
0x85: {  	_ =	shalt  }
0x86: {  	_ =	shalt  }
0x87: {  	_ =	shalt  }
.Lfunc_end0:
.L_simem_size_0:
called_computation_lowered:
.L_overlay_start_0:
0x88: {  	s2 =	sld [smem:$0x3FD9]  }
0x89: {  	s3 =	sld [smem:$0x3FFE];
	_ =	sdelay $0x1  }
0x8a: {  	s1 =	srdreg.scid  }
0x8b: {  	s0 =	sand.u32 $0x1, s1  }
0x8c: {  	s28 =	sshll.u32 s0, $0xA;
	s2 =	sadd.s32 s3, s2  }
0x8d: {  	s2 =	sadd.s32 s2, s28  }
0x8e: {  	s9 =	simm.s32 $0x0;
	[smem:$0x3FA9] =	sst s2  }
0x8f: {  	[smem:$0xF] =	sst s9  }
0x90: {  	s2 =	sld [smem:$0x3FC8]  }
0x91: {  	s6 =	sld [smem:$0x3FC7];
	(tm) =	ssettm $0x1  }
0x92: {  	s29 =	sld [smem:$0x3FFB];
	_ =	sdelay $0x3  }
0x93: {  	_ =	strace s29  }
0x94: {  	s3 =	sld [smem:$0x3FFC];
	_ =	sdelay $0x3  }
0x95: {  	_ =	strace s3  }
0x96: {  	s3 =	sld [smem:$0x3FFD];
	_ =	sdelay $0x3  }
0x97: {  	_ =	strace s3  }
0x98: {  	s30 =	simm.s32 $0x1B8B;
	_ =	strace $0x8FFFFFFF  }
0x99: {  	_ =	swait.ge [sflag:s30], $0x1  }
0x9a: {  	[sflag:s30] =	ssyncset.done $0x0  }
0x9b: {  	s4 =	simm.s32 $0x1B8E;
	s8 =	simm.s32 $0xB;
	[sflag:s30] =	ssyncadd.s32 $0xFFFFFFFF  }
0x9c: {  	s12 =	simm.s32 $0x10;
	s7 =	sshll.u32 s0, $0x8;
	[smem:$0x3FD2] =	sst s4  }
0x9d: {  	s2 =	sadd.s32 s7, s2;
	s31 =	sld [smem:$0x3FFE];
	_ =	strace $0x80000046  }
0x9e: {  	[smem:s12], [sflag:s8] =	dma.local [hbm:s2], $0x100  }
0x9f: {  	s13 =	simm.s32 $0x10;
	_ =	swait.ge [sflag:s8], $0x100  }
0xa0: {  	s5 =	sshll.u32 s0, $0xF;
	s4 =	simm.s32 $0xA;
	[sflag:s8] =	ssyncset.done $0x0  }
0xa1: {  	s10 =	sadd.s32 $0x4200, s31;
	s2 =	sadd.s32 $0xF46600, s31;
	[sflag:s8] =	ssyncadd.s32 $0xFFFFFF00  }
0xa2: {  	s11 =	sadd.s32 $0xF4A600, s31;
	s3 =	sadd.s32 $0xF5A600, s31;
	s14 =	sld [smem:$0x10]  }
.LBB1_1:
0xa3: {  	p0 =	sne.s32 s13, $0x7FF0;
	_ =	sdelay $0x1  }
0xa4: {  	s15 =	sadd.s32 s9, s5  }
0xa5: {  	s9 =	sand.u32 $0x70, s9;
	s15 =	sand.u32 $0xFF80, s15;
	s14 =	sshll.u32 s14, $0x4  }
.Ltmp0:
0xa6: {  	s9 =	sadd.s32 s11, s9;
	s14 =	sand.u32 $0x1FFFFFF0, s14;
	(pc) =	sbr.rel @p0 .LBB1_1-.Ltmp0, $3  }
0xa7: {  	s12 =	sadd.s32 $0x1, s12;
	s9 =	sadd.s32 s15, s9;
	s14 =	sadd.s32 s10, s14  }
0xa8: {  	[hbm:s9], [sflag:s4] =	dma.local [hbm:s14], $0x10  }
0xa9: {  	s9 =	smov.u32 s13;
	s13 =	sadd.s32 $0x10, s13;
	s14 =	sld [smem:s12+$0x0]  }
0xaa: {  	_ =	sdelay $0x2  }
0xab: {  	s12 =	sadd.s32 s9, s5;
	s29 =	sand.u32 $0x70, s9;
	s13 =	sshll.u32 s14, $0x4  }
0xac: {  	s12 =	sand.u32 $0xFF80, s12;
	s9 =	sadd.s32 s11, s29;
	s13 =	sand.u32 $0x1FFFFFF0, s13  }
0xad: {  	s30 =	simm.s32 $0xA;
	s9 =	sadd.s32 s12, s9;
	s10 =	sadd.s32 s10, s13  }
0xae: {  	[hbm:s9], [sflag:s4] =	dma.local [hbm:s10], $0x10  }
0xaf: {  	_ =	swait.ge [sflag:s30], $0x8000  }
0xb0: {  	[sflag:s30] =	ssyncset.done $0x0  }
0xb1: {  	[sflag:s30] =	ssyncadd.s32 $0xFFFF8000  }
0xb2: {  	s7 =	sadd.s32 s7, s6;
	s6 =	simm.s32 $0x10;
	s31 =	simm.s32 $0xB  }
0xb3: {  	[smem:s6], [sflag:s8] =	dma.local [hbm:s7], $0x100  }
0xb4: {  	_ =	swait.ge [sflag:s31], $0x100  }
0xb5: {  	[sflag:s31] =	ssyncset.done $0x0  }
0xb6: {  	[sflag:s31] =	ssyncadd.s32 $0xFFFFFF00  }
0xb7: {  	s9 =	simm.s32 $0x0;
	s7 =	simm.s32 $0x10;
	s8 =	sld [smem:$0x10]  }
.LBB1_3:
0xb8: {  	p0 =	sne.s32 s7, $0x7FF0;
	_ =	sdelay $0x1  }
0xb9: {  	s10 =	sadd.s32 s9, s5  }
0xba: {  	s9 =	sand.u32 $0x70, s9;
	s10 =	sand.u32 $0xFF80, s10;
	s8 =	sshll.u32 s8, $0x4  }
.Ltmp1:
0xbb: {  	s9 =	sadd.s32 s3, s9;
	s8 =	sand.u32 $0x1FFFFFF0, s8;
	(pc) =	sbr.rel @p0 .LBB1_3-.Ltmp1, $3  }
0xbc: {  	s6 =	sadd.s32 $0x1, s6;
	s9 =	sadd.s32 s10, s9;
	s8 =	sadd.s32 s2, s8  }
0xbd: {  	[hbm:s9], [sflag:s4] =	dma.local [hbm:s8], $0x10  }
0xbe: {  	s9 =	smov.u32 s7;
	s7 =	sadd.s32 $0x10, s7;
	s8 =	sld [smem:s6+$0x0]  }
0xbf: {  	_ =	sdelay $0x2  }
0xc0: {  	s5 =	sadd.s32 s9, s5;
	s6 =	sand.u32 $0x70, s9;
	s7 =	sshll.u32 s8, $0x4  }
0xc1: {  	s5 =	sand.u32 $0xFF80, s5;
	s3 =	sadd.s32 s3, s6;
	s7 =	sand.u32 $0x1FFFFFF0, s7  }
0xc2: {  	s28 =	simm.s32 $0xA;
	s3 =	sadd.s32 s5, s3;
	s2 =	sadd.s32 s2, s7  }
0xc3: {  	[hbm:s3], [sflag:s4] =	dma.local [hbm:s2], $0x10  }
0xc4: {  	_ =	swait.ge [sflag:s28], $0x8000  }
0xc5: {  	[sflag:s28] =	ssyncset.done $0x0  }
0xc6: {  	[sflag:s28] =	ssyncadd.s32 $0xFFFF8000  }
0xc7: {  	_ =	strace $0x90000046  }
0xc8: {  	_ =	sfence  }
0xc9: {  	s29 =	sld [smem:$0x0];
	_ =	sdelay $0x2  }
0xca: {  	s30 =	sshll.u32 s1, $0xD;
	s31 =	sshrl.u32 s1, $0x2  }
0xcb: {  	s3 =	sand.u32 $0x4000, s30;
	s1 =	sadd.s32 s31, s29  }
0xcc: {  	s0 =	sor.u32 s3, s0;
	s1 =	sshll.u32 s1, $0x11  }
0xcd: {  	s0 =	sor.u32 s1, s0  }
0xce: {  	s0 =	sadd.s32 $0x8F2B, s0;
	(pc) =	sbr.abs _section_cstart, $3  }
0xcf: {  	[sflag:s0] =	ssyncadd.remote.s32 $0x1  }
0xd0: {  	_ =	strace $0x9FFFFFFF  }
0xd1: {  	(tm) =	ssettm $0x7FFFFFFF  }

// kernel: kernel.9.cloned.1.call-start
scs
__scs_entry_jumppad:
0x0: {  	(pc) =	sbr.rel $0x88, $3  }
0x1: {  	(tag) =	ssettag $0x0;
	lr =	simm.s32 $0x1  }
0x2: {  	[smem:$0x3F82] =	sst lr;
	_ =	strace $0xD0000000  }
0x3: {  	_ = 	snop  }
0x4: {  	_ = 	snop  }
0x5: {  	_ = 	snop  }
0x6: {  	_ = 	snop  }
0x7: {  	_ = 	snop  }
__scs_overlays_trampoline_lowered:
0x8: {  	[smem:$0x3F91] =	sst s0  }
0x9: {  	[smem:$0x3F92] =	sst s1  }
0xa: {  	[smem:$0x3F93] =	sst s2  }
0xb: {  	[smem:$0x3F94] =	sst s3  }
0xc: {  	[smem:$0x3F95] =	sst s4  }
0xd: {  	[smem:$0x3F96] =	sst s5  }
0xe: {  	[smem:$0x3F97] =	sst s6  }
0xf: {  	[smem:$0x3F98] =	sst s7  }
0x10: {  	[smem:$0x3F99] =	sst s8  }
0x11: {  	[smem:$0x3F9A] =	sst s9;
	s0 =	simm.s32 @!p0 $0x0  }
0x12: {  	s1 =	sld [smem:$0x3F80];
	s0 =	simm.s32 @p0 $0x1  }
0x13: {  	[smem:$0x3F9B] =	sst s0;
	s0 =	simm.s32 @!p1 $0x0  }
0x14: {  	s2 =	sld [smem:$0x3F7F];
	s0 =	simm.s32 @p1 $0x1  }
0x15: {  	[smem:$0x3F9C] =	sst s0;
	s0 =	simm.s32 @!p2 $0x0  }
0x16: {  	s3 =	sld [smem:$0x3FDB];
	s0 =	simm.s32 @p2 $0x1  }
0x17: {  	s4 =	simm.s32 $0x1BF5;
	[smem:$0x3F9E] =	sst s0  }
0x18: {  	s0 =	sld [smem:$0x3F81];
	_ =	swait.ge [sflag:s4], $0x0  }
0x19: {  	s7 =	sld [smem:$0x3F82]  }
0x1a: {  	s8 =	sadd.s32 $0xFFFFE003, lr  }
0x1b: {  	s9 =	sadd.s32 $0xFFFFFEF7, lr;
	s5 =	simm.s32 $0xFFFFFFFF;
	p2 =	slt.u32 s8, $0xFFFFF086  }
0x1c: {  	p1 =	slt.u32 s9, $0xF7A;
	s5 =	simm.s32 @!p2 $0x0  }
0x1d: {  	s5 =	simm.s32 @p1 $0x1;
	p0 =	seq.s32 s7, s2  }
0x1e: {  	s7 =	smul.u32 @!p0 $0xF7A, s2;
	p2 =	seq.s32 @!p0 s5, $0x0  }
0x1f: {  	s9 =	smul.u32 $0xF7A, s1;
	s8 =	simm.s32 @!p0 $0x1BF5;
	p2 =	por !p2, p0  }
0x20: {  	[sflag:s8] =	ssyncset.s32 @!p0 $0xFFFFF086;
	s6 =	sadd.s32 @!p0 s3, s7;
	s7 =	simm.s32 @!p0 $0x108  }
0x21: {  	s3 =	sadd.s32 s3, s9;
	s6 =	sadd.s32 @!p0 $0x88, s6;
	s7 =	simm.s32 @p2 $0x1082  }
0x22: {  	[simem:s7], [sflag:s8] =	dma.local @!p0 [hbm:s6], $0xF7A  }
0x23: {  	s9 =	sor.u32 $0xD0000000, s2;
	s6 =	simm.s32 $0x108;
	_ =	swait.ge @!p0 [sflag:s8], $0x0  }
0x24: {  	s3 =	sadd.s32 $0x88, s3;
	s6 =	simm.s32 @!p1 $0x1082;
	[sflag:s4] =	ssyncset.s32 $0xFFFFF086  }
0x25: {  	[simem:s6], [sflag:s4] =	dma.local [hbm:s3], $0xF7A  }
0x26: {  	[smem:$0x3F82] =	sst s1;
	(tag) =	ssettag s2;
	_ =	strace s9  }
0x27: {  	s1 =	sld [smem:$0x3F92]  }
0x28: {  	s2 =	sld [smem:$0x3F93]  }
0x29: {  	s4 =	sld [smem:$0x3F95]  }
0x2a: {  	p0 =	seq.s32 s5, $0x0;
	s5 =	sld [smem:$0x3F96]  }
0x2b: {  	s6 =	sld [smem:$0x3F97]  }
0x2c: {  	s7 =	sld [smem:$0x3F98]  }
0x2d: {  	s3 =	simm.s32 $0x108;
	s8 =	sld [smem:$0x3F99]  }
0x2e: {  	s3 =	simm.s32 @!p0 $0x1082;
	s9 =	sld [smem:$0x3F9A]  }
0x2f: {  	lr =	sadd.s32 s0, s3;
	s0 =	sld [smem:$0x3F91]  }
0x30: {  	s3 =	sld [smem:$0x3F94]  }
0x31: {  	[smem:$0x3F9D] =	sst s10  }
0x32: {  	s10 =	sld [smem:$0x3F9B];
	_ =	sdelay $0x3  }
0x33: {  	p0 =	seq.s32 s10, $0x1;
	s10 =	sld [smem:$0x3F9D];
	_ =	sdelay $0x3  }
0x34: {  	[smem:$0x3F9D] =	sst s10  }
0x35: {  	s10 =	sld [smem:$0x3F9C];
	_ =	sdelay $0x3  }
0x36: {  	p1 =	seq.s32 s10, $0x1;
	s10 =	sld [smem:$0x3F9D];
	_ =	sdelay $0x3  }
0x37: {  	[smem:$0x3F9D] =	sst s10  }
0x38: {  	s10 =	sld [smem:$0x3F9E]  }
0x39: {  	_ = 	snop;
	(pc) =	sbr.ind lr, $3  }
0x3a: {  	_ = 	snop  }
0x3b: {  	_ = 	snop  }
0x3c: {  	p2 =	seq.s32 s10, $0x1;
	s10 =	sld [smem:$0x3F9D]  }
0x3d: {  	_ =	shalt  }
0x3e: {  	_ =	shalt  }
0x3f: {  	_ =	shalt  }
0x40: {  	_ =	shalt  }
0x41: {  	_ =	shalt  }
0x42: {  	_ =	shalt  }
0x43: {  	_ =	shalt  }
0x44: {  	_ =	shalt  }
0x45: {  	_ =	shalt  }
0x46: {  	_ =	shalt  }
0x47: {  	_ =	shalt  }
0x48: {  	_ =	shalt  }
0x49: {  	_ =	shalt  }
0x4a: {  	_ =	shalt  }
0x4b: {  	_ =	shalt  }
0x4c: {  	_ =	shalt  }
0x4d: {  	_ =	shalt  }
0x4e: {  	_ =	shalt  }
0x4f: {  	_ =	shalt  }
0x50: {  	_ =	shalt  }
0x51: {  	_ =	shalt  }
0x52: {  	_ =	shalt  }
0x53: {  	_ =	shalt  }
0x54: {  	_ =	shalt  }
0x55: {  	_ =	shalt  }
0x56: {  	_ =	shalt  }
0x57: {  	_ =	shalt  }
0x58: {  	_ =	shalt  }
0x59: {  	_ =	shalt  }
0x5a: {  	_ =	shalt  }
0x5b: {  	_ =	shalt  }
0x5c: {  	_ =	shalt  }
0x5d: {  	_ =	shalt  }
0x5e: {  	_ =	shalt  }
0x5f: {  	_ =	shalt  }
0x60: {  	_ =	shalt  }
0x61: {  	_ =	shalt  }
0x62: {  	_ =	shalt  }
0x63: {  	_ =	shalt  }
0x64: {  	_ =	shalt  }
0x65: {  	_ =	shalt  }
0x66: {  	_ =	shalt  }
0x67: {  	_ =	shalt  }
0x68: {  	_ =	shalt  }
0x69: {  	_ =	shalt  }
0x6a: {  	_ =	shalt  }
0x6b: {  	_ =	shalt  }
0x6c: {  	_ =	shalt  }
0x6d: {  	_ =	shalt  }
0x6e: {  	_ =	shalt  }
0x6f: {  	_ =	shalt  }
0x70: {  	_ =	shalt  }
0x71: {  	_ =	shalt  }
0x72: {  	_ =	shalt  }
0x73: {  	_ =	shalt  }
0x74: {  	_ =	shalt  }
0x75: {  	_ =	shalt  }
0x76: {  	_ =	shalt  }
0x77: {  	_ =	shalt  }
0x78: {  	_ =	shalt  }
0x79: {  	_ =	shalt  }
0x7a: {  	_ =	shalt  }
0x7b: {  	_ =	shalt  }
0x7c: {  	_ =	shalt  }
0x7d: {  	_ =	shalt  }
0x7e: {  	_ =	shalt  }
0x7f: {  	_ =	shalt  }
0x80: {  	_ =	shalt  }
0x81: {  	_ =	shalt  }
0x82: {  	_ =	shalt  }
0x83: {  	_ =	shalt  }
0x84: {  	_ =	shalt  }
0x85: {  	_ =	shalt  }
0x86: {  	_ =	shalt  }
0x87: {  	_ =	shalt  }
.Lfunc_end0:
.L_simem_size_0:
called_computation.1_lowered:
.L_overlay_start_0:
0x88: {  	s2 =	sld [smem:$0x3FD9]  }
0x89: {  	s3 =	sld [smem:$0x3FFE];
	_ =	sdelay $0x1  }
0x8a: {  	s1 =	srdreg.scid  }
0x8b: {  	s0 =	sand.u32 $0x1, s1  }
0x8c: {  	s17 =	sshll.u32 s0, $0xA;
	s2 =	sadd.s32 s3, s2  }
0x8d: {  	s2 =	sadd.s32 s2, s17  }
0x8e: {  	[smem:$0x3FA9] =	sst s2  }
0x8f: {  	_ = 	snop  }
0x90: {  	(tm) =	ssettm $0x1  }
0x91: {  	s18 =	sld [smem:$0x3FFB];
	_ =	sdelay $0x3  }
0x92: {  	_ =	strace s18  }
0x93: {  	s2 =	sld [smem:$0x3FFC];
	_ =	sdelay $0x3  }
0x94: {  	_ =	strace s2  }
0x95: {  	s2 =	sld [smem:$0x3FFD];
	_ =	sdelay $0x3  }
0x96: {  	_ =	strace s2  }
0x97: {  	_ =	strace $0x8FFFFFFF  }
0x98: {  	s19 =	sld [smem:$0x3FDB];
	_ =	sdelay $0x1  }
0x99: {  	s20 =	simm.s32 $_scs_section_size  }
0x9a: {  	s4 =	simm.s32 $_size__tile_overlayer_lowered;
	s5 =	simm.s32 $_tile_overlayer_lowered  }
0x9b: {  	s6 =	simm.s32 $0x1BFF;
	s21 =	sshll.u32 s5, $0x1;
	s3 =	sadd.s32 s20, s19  }
0x9c: {  	s22 =	simm.s32 $0x0;
	s4 =	sshll.u32 s4, $0x1;
	s5 =	sadd.s32 s21, s3  }
0x9d: {  	[timem:s22], [sflag:s6] =	dma.local [hbm:s5], s4  }
0x9e: {  	_ =	swait.ge [sflag:s6], s4  }
0x9f: {  	s4 =	ssub.s32 $0x0, s4;
	[sflag:s6] =	ssyncset.done $0x0  }
0xa0: {  	[sflag:s6] =	ssyncadd.s32 s4;
	_ =	sdelay $0x1  }
0xa1: {  	s23 =	simm.s32 $0x1B8B  }
0xa2: {  	_ =	swait.ge [sflag:s23], $0x1  }
0xa3: {  	[sflag:s23] =	ssyncset.done $0x0  }
0xa4: {  	[sflag:s23] =	ssyncadd.s32 $0xFFFFFFFF  }
0xa5: {  	s4 =	sld [smem:$0x0]  }
0xa6: {  	s5 =	sand.u32 $0xFFFFFFFE, s1  }
0xa7: {  	p0 =	sne.s32 s1, s5  }
0xa8: {  	s5 =	sshll.u32 @p0 s5, $0xE  }
0xa9: {  	s5 =	sadd.s32 @p0 $0x11B8D, s5;
	s6 =	sshll.u32 @p0 s4, $0x11  }
0xaa: {  	s5 =	sor.u32 @p0 s6, s5  }
0xab: {  	[sflag:s5] =	ssyncadd.remote.s32 @p0 $0x1;
	_ =	sdelay $0x1  }
0xac: {  	s5 =	simm.s32 @p0 $0x1B8D  }
0xad: {  	_ =	swait.eq @p0 [sflag:s5], $0x1  }
0xae: {  	[sflag:s5] =	ssyncadd.s32 @p0 $0xFFFFFFFF  }
0xaf: {  	s6 =	sshll.u32 @!p0 s1, $0xE  }
0xb0: {  	s6 =	sor.u32 @!p0 $0x4000, s6;
	s5 =	simm.s32 @!p0 $0x1B8D  }
0xb1: {  	s4 =	sshll.u32 @!p0 s4, $0x11;
	s6 =	sadd.s32 @!p0 $0x11B8D, s6;
	_ =	swait.eq @!p0 [sflag:s5], $0x1  }
0xb2: {  	s4 =	sor.u32 @!p0 s4, s6;
	[sflag:s5] =	ssyncadd.s32 @!p0 $0xFFFFFFFF  }
0xb3: {  	s25 =	simm.s32 $0x1B8E;
	s24 =	sld [smem:$0x3FFE];
	[sflag:s4] =	ssyncadd.remote.s32 @!p0 $0x1  }
0xb4: {  	s26 =	simm.s32 $execute0_lowered;
	[smem:$0x3FD2] =	sst s25  }
0xb5: {  	s5 =	sshll.u32 s26, $0x1;
	_ =	strace $0x80000047;
	[dreg:$0x1] =	wrdreg $0xFFFFFFFF  }
0xb6: {  	s28 =	simm.s32 $_size_execute0_lowered;
	s3 =	sadd.s32 s3, s5;
	[dreg:$0x0] =	wrdreg $0x0  }
0xb7: {  	s5 =	sshll.u32 s28, $0x1;
	[dreg:$0x2] =	wrdreg s3  }
0xb8: {  	[dreg:$0x3] =	wrdreg s5  }
0xb9: {  	[dreg:$0x4] =	wrdreg $0xC0  }
0xba: {  	_ =	task [dreg:s22], $0x5FFFF  }
0xbb: {  	[dreg:$0x1] =	wrdreg $0xFFFFFFFF  }
0xbc: {  	[dreg:$0x0] =	wrdreg $0x60  }
0xbd: {  	[dreg:$0x2] =	wrdreg s24  }
0xbe: {  	[dreg:$0x3] =	wrdreg $0x9  }
0xbf: {  	_ =	task.clear_ibuf [dreg:s22], $0x4FFFF;
	_ =	strace $0x90000047  }
0xc0: {  	s29 =	simm.s32 $0x9;
	_ =	strace $0x80000049  }
0xc1: {  	_ =	swait.ge [sflag:s29], $0x1  }
0xc2: {  	[sflag:s29] =	ssyncadd.s32 $0xFFFFFFFF  }
0xc3: {  	_ =	strace $0x90000049  }
0xc4: {  	_ =	sfence  }
0xc5: {  	s30 =	sld [smem:$0x0];
	_ =	sdelay $0x2  }
0xc6: {  	s31 =	sshll.u32 s1, $0xD;
	s1 =	sshrl.u32 s1, $0x2  }
0xc7: {  	s4 =	sand.u32 $0x4000, s31;
	s1 =	sadd.s32 s1, s30  }
0xc8: {  	s0 =	sor.u32 s4, s0;
	s1 =	sshll.u32 s1, $0x11  }
0xc9: {  	s0 =	sor.u32 s1, s0  }
0xca: {  	s0 =	sadd.s32 $0x8F2B, s0  }
0xcb: {  	[sflag:s0] =	ssyncadd.remote.s32 $0x1  }
0xcc: {  	_ =	sfence.sel $0xFFFF  }
0xcd: {  	[dreg:$0x0] =	wrdreg $0xFFFFFFFF;
	(pc) =	sbr.abs _section_cstart, $3  }
0xce: {  	[dreg:$0x1] =	wrdreg $0xFFFFFFFF  }
0xcf: {  	_ =	task.clear_ibuf [dreg:s22], $0x2FFFF;
	_ =	strace $0x9FFFFFFF  }
0xd0: {  	(tm) =	ssettm $0x7FFFFFFF  }
0xd1: {  	_ =	shalt  }
tec
execute0_lowered:
.L_overlay_start_1:
0x0: {  	(tag) =	ssettag $0x1  }
0x1: {  	s7 =	rddreg [dreg:$0x0]  }
0x2: {  	s0 =	rddreg [dreg:$0x1];
	s2 =	simm.s32 $0x0  }
0x3: {  	s1 =	stileid.u32;
	s5 =	srdreg.scid;
	s14 =	simm.s32 $0x2  }
0x4: {  	s15 =	simm.s32 $0xC80;
	s16 =	simm.s32 $0x1;
	s17 =	simm.s32 $0x20  }
0x5: {  	s18 =	simm.s32 $0x80;
	s19 =	simm.s32 $0x7080;
	s20 =	simm.s32 $0xD480  }
0x6: {  	s21 =	simm.s32 $0x13880;
	s22 =	simm.s32 $0x0;
	s3 =	sadd.s32 $0x1EACA00, s7  }
0x7: {  	[smem:$0x7FF] =	sst s2;
	s8 =	smul.u32 $0x64000, s1;
	s4 =	sadd.s32 $0xF9C600, s7  }
0x8: {  	s9 =	sand.u32 $0x1, s5;
	s10 =	smul.u32 $0x6400, s1;
	s5 =	sadd.s32 $0xF83600, s7  }
0x9: {  	s6 =	sadd.s32 $0xF6A600, s7;
	s11 =	ssub.s32 $0x2, s9;
	s12 =	smul.u32 $0x3200, s9  }
0xa: {  	_ =	strace $0x80000048;
	s9 =	smul.u32 $0x32000, s9;
	s13 =	sshrl.u32 s11, $0x1  }
0xb: {  	s8 =	sadd.s32 s8, s7;
	s30 =	ssub.s32 s11, s13;
	s10 =	sadd.s32 s12, s10  }
0xc: {  	s8 =	sadd.s32 s9, s8;
	s11 =	simm.s32 $0x320;
	s12 =	simm.s32 $0x640  }
0xd: {  	s13 =	simm.s32 $0x960;
	s7 =	smax.u32 s30, $0x1;
	s31 =	sadd.s32 $0x64000, s10  }
0xe: {  	s8 =	sadd.s32 $0xF9D600, s8;
	s9 =	sshrl.u32 s10, $0x3;
	s10 =	sshrl.u32 s31, $0x3  }
.LBB2_1:
0xf: {  	s23 =	sadd.s32 s5, s9  }
0x10: {  	[tilespmem:s2], [sflag:$0x2] =	stream.linear.gather [hbm4b:s23+s2], $0x320, $0x38;
	[tilespmem:$0x19C80] =	vst v63  }
0x11: {  	s26 =	sadd.s32 s6, s9  }
0x12: {  	[tilespmem:s11], [sflag:$0x2] =	stream.linear.gather [hbm4b:s26+s2], $0x320, $0x38;
	[tilespmem:$0x19C80] =	vst v63  }
0x13: {  	s28 =	sadd.s32 s5, s10  }
0x14: {  	[tilespmem:s12], [sflag:$0x2] =	stream.linear.gather [hbm4b:s28+s2], $0x320, $0x38;
	[tilespmem:$0x19C80] =	vst v63  }
0x15: {  	s29 =	sadd.s32 s6, s10  }
0x16: {  	[tilespmem:s13], [sflag:$0x2] =	stream.linear.gather [hbm4b:s29+s2], $0x320, $0x38;
	[tilespmem:$0x19C80] =	vst v63  }
0x17: {  	_ =	swait.ge [sflag:s14], $0x320  }
0x18: {  	[sflag:s14] =	ssyncset.done $0x0  }
0x19: {  	[sflag:s14] =	ssyncadd.s32 $0xFFFFFCE0  }
0x1a: {  	_ =	swait.ge [sflag:s14], $0x320  }
0x1b: {  	[sflag:s14] =	ssyncset.done $0x0  }
0x1c: {  	[sflag:s14] =	ssyncadd.s32 $0xFFFFFCE0  }
0x1d: {  	_ =	swait.ge [sflag:s14], $0x320  }
0x1e: {  	[sflag:s14] =	ssyncset.done $0x0  }
0x1f: {  	[sflag:s14] =	ssyncadd.s32 $0xFFFFFCE0  }
0x20: {  	_ =	swait.ge [sflag:s14], $0x320  }
0x21: {  	[sflag:s14] =	ssyncset.done $0x0  }
0x22: {  	[sflag:s14] =	ssyncadd.s32 $0xFFFFFCE0  }
0x23: {  	[tilespmem:s15], [sflag:$0x1] =	stream.indirect.gather [hbm4b:s3+s11], $0x20, s2, s11, $0xb8;
	[tilespmem:$0x19C80] =	vst v63  }
0x24: {  	_ =	swait.ge [sflag:s16], $0x6400  }
0x25: {  	[sflag:s16] =	ssyncset.done $0x0  }
0x26: {  	s30 =	sadd.s32 $0x0, s8;
	[sflag:s16] =	ssyncadd.s32 $0xFFFF9C00  }
0x27: {  	[hbm4b:s30+s17] =	stream.strided.scatter [tilespmem:s15], [sflag:$0x2], $0x6400, s18, s17, $0x38;
	[tilespmem:$0x19C80] =	vst v63  }
0x28: {  	_ = 	snop  }
0x29: {  	[tilespmem:s19], [sflag:$0x1] =	stream.indirect.gather [hbm4b:s4+s11], $0x20, s11, s11, $0xb8;
	[tilespmem:$0x19C80] =	vst v63  }
0x2a: {  	_ =	swait.ge [sflag:s16], $0x6400  }
0x2b: {  	[sflag:s16] =	ssyncset.done $0x0  }
0x2c: {  	s24 =	sadd.s32 $0x4, s30;
	[sflag:s16] =	ssyncadd.s32 $0xFFFF9C00  }
0x2d: {  	[hbm4b:s24+s17] =	stream.strided.scatter [tilespmem:s19], [sflag:$0x2], $0x6400, s18, s17, $0x38;
	[tilespmem:$0x19C80] =	vst v63  }
0x2e: {  	_ = 	snop  }
0x2f: {  	[tilespmem:s20], [sflag:$0x1] =	stream.indirect.gather [hbm4b:s3+s11], $0x20, s12, s11, $0xb8;
	[tilespmem:$0x19C80] =	vst v63  }
0x30: {  	_ =	swait.ge [sflag:s16], $0x6400  }
0x31: {  	[sflag:s16] =	ssyncset.done $0x0  }
0x32: {  	s31 =	sadd.s32 $0x8, s30;
	[sflag:s16] =	ssyncadd.s32 $0xFFFF9C00  }
0x33: {  	[hbm4b:s31+s17] =	stream.strided.scatter [tilespmem:s20], [sflag:$0x2], $0x6400, s18, s17, $0x38;
	[tilespmem:$0x19C80] =	vst v63  }
0x34: {  	_ = 	snop  }
0x35: {  	[tilespmem:s21], [sflag:$0x1] =	stream.indirect.gather [hbm4b:s4+s11], $0x20, s13, s11, $0xb8;
	[tilespmem:$0x19C80] =	vst v63  }
0x36: {  	_ =	swait.ge [sflag:s16], $0x6400  }
0x37: {  	[sflag:s16] =	ssyncset.done $0x0  }
0x38: {  	s23 =	sadd.s32 $0xC, s30;
	[sflag:s16] =	ssyncadd.s32 $0xFFFF9C00  }
0x39: {  	[hbm4b:s23+s17] =	stream.strided.scatter [tilespmem:s21], [sflag:$0x2], $0x6400, s18, s17, $0x38;
	[tilespmem:$0x19C80] =	vst v63  }
0x3a: {  	_ =	swait.ge [sflag:s14], $0x6400  }
0x3b: {  	[sflag:s14] =	ssyncset.done $0x0  }
0x3c: {  	[sflag:s14] =	ssyncadd.s32 $0xFFFF9C00  }
0x3d: {  	_ =	swait.ge [sflag:s14], $0x6400  }
0x3e: {  	[sflag:s14] =	ssyncset.done $0x0  }
0x3f: {  	[sflag:s14] =	ssyncadd.s32 $0xFFFF9C00  }
0x40: {  	_ =	swait.ge [sflag:s14], $0x6400  }
0x41: {  	[sflag:s14] =	ssyncset.done $0x0  }
0x42: {  	[sflag:s14] =	ssyncadd.s32 $0xFFFF9C00  }
0x43: {  	s25 =	smov.u32 s6;
	s26 =	simm.s32 $0x6400;
	_ =	swait.ge [sflag:s14], $0x6400  }
0x44: {  	s24 =	sadd.s32 $0x64, s5;
	s23 =	simm.s32 $0x3200;
	[sflag:s14] =	ssyncset.done $0x0  }
.LBB2_2:
0x45: {  	s28 =	sadd.s32 s24, s9  }
0x46: {  	[sflag:s14] =	ssyncadd.s32 $0xFFFF9C00;
	s25 =	sadd.s32 $0x64, s25;
	s29 =	smov.u32 s26  }
0x47: {  	[tilespmem:s2], [sflag:$0x2] =	stream.linear.gather [hbm4b:s28+s2], $0x320, $0x38;
	[tilespmem:$0x19C80] =	vst v63  }
0x48: {  	p0 =	sne.s32 s26, $0x2EE00;
	s26 =	sadd.s32 $0x3200, s26;
	s28 =	sadd.s32 s25, s9  }
0x49: {  	[tilespmem:s11], [sflag:$0x2] =	stream.linear.gather [hbm4b:s28+s2], $0x320, $0x38;
	[tilespmem:$0x19C80] =	vst v63  }
0x4a: {  	s28 =	sadd.s32 s24, s10  }
0x4b: {  	[tilespmem:s12], [sflag:$0x2] =	stream.linear.gather [hbm4b:s28+s2], $0x320, $0x38;
	[tilespmem:$0x19C80] =	vst v63  }
0x4c: {  	s28 =	sadd.s32 s25, s10  }
0x4d: {  	[tilespmem:s13], [sflag:$0x2] =	stream.linear.gather [hbm4b:s28+s2], $0x320, $0x38;
	[tilespmem:$0x19C80] =	vst v63  }
0x4e: {  	_ =	swait.ge [sflag:s14], $0x320  }
0x4f: {  	[sflag:s14] =	ssyncset.done $0x0  }
0x50: {  	[sflag:s14] =	ssyncadd.s32 $0xFFFFFCE0  }
0x51: {  	_ =	swait.ge [sflag:s14], $0x320  }
0x52: {  	[sflag:s14] =	ssyncset.done $0x0  }
0x53: {  	[sflag:s14] =	ssyncadd.s32 $0xFFFFFCE0  }
0x54: {  	_ =	swait.ge [sflag:s14], $0x320  }
0x55: {  	[sflag:s14] =	ssyncset.done $0x0  }
0x56: {  	[sflag:s14] =	ssyncadd.s32 $0xFFFFFCE0  }
0x57: {  	_ =	swait.ge [sflag:s14], $0x320  }
0x58: {  	[sflag:s14] =	ssyncset.done $0x0  }
0x59: {  	[sflag:s14] =	ssyncadd.s32 $0xFFFFFCE0  }
0x5a: {  	[tilespmem:s15], [sflag:$0x1] =	stream.indirect.gather [hbm4b:s3+s11], $0x20, s2, s11, $0xb8;
	[tilespmem:$0x19C80] =	vst v63  }
0x5b: {  	_ =	swait.ge [sflag:s16], $0x6400  }
0x5c: {  	[sflag:s16] =	ssyncset.done $0x0  }
0x5d: {  	s28 =	sadd.s32 s23, s8;
	s23 =	smov.u32 s29;
	[sflag:s16] =	ssyncadd.s32 $0xFFFF9C00  }
0x5e: {  	[hbm4b:s28+s17] =	stream.strided.scatter [tilespmem:s15], [sflag:$0x2], $0x6400, s18, s17, $0x38;
	[tilespmem:$0x19C80] =	vst v63  }
0x5f: {  	_ = 	snop  }
0x60: {  	[tilespmem:s19], [sflag:$0x1] =	stream.indirect.gather [hbm4b:s4+s11], $0x20, s11, s11, $0xb8;
	[tilespmem:$0x19C80] =	vst v63  }
0x61: {  	_ =	swait.ge [sflag:s16], $0x6400  }
0x62: {  	[sflag:s16] =	ssyncset.done $0x0  }
0x63: {  	s29 =	sadd.s32 $0x4, s28;
	[sflag:s16] =	ssyncadd.s32 $0xFFFF9C00  }
0x64: {  	[hbm4b:s29+s17] =	stream.strided.scatter [tilespmem:s19], [sflag:$0x2], $0x6400, s18, s17, $0x38;
	[tilespmem:$0x19C80] =	vst v63  }
0x65: {  	_ = 	snop  }
0x66: {  	[tilespmem:s20], [sflag:$0x1] =	stream.indirect.gather [hbm4b:s3+s11], $0x20, s12, s11, $0xb8;
	[tilespmem:$0x19C80] =	vst v63  }
0x67: {  	_ =	swait.ge [sflag:s16], $0x6400  }
0x68: {  	[sflag:s16] =	ssyncset.done $0x0  }
0x69: {  	s29 =	sadd.s32 $0x8, s28;
	[sflag:s16] =	ssyncadd.s32 $0xFFFF9C00  }
0x6a: {  	[hbm4b:s29+s17] =	stream.strided.scatter [tilespmem:s20], [sflag:$0x2], $0x6400, s18, s17, $0x38;
	[tilespmem:$0x19C80] =	vst v63  }
0x6b: {  	_ = 	snop  }
0x6c: {  	[tilespmem:s21], [sflag:$0x1] =	stream.indirect.gather [hbm4b:s4+s11], $0x20, s13, s11, $0xb8;
	[tilespmem:$0x19C80] =	vst v63  }
0x6d: {  	_ =	swait.ge [sflag:s16], $0x6400  }
0x6e: {  	[sflag:s16] =	ssyncset.done $0x0  }
0x6f: {  	s28 =	sadd.s32 $0xC, s28;
	[sflag:s16] =	ssyncadd.s32 $0xFFFF9C00  }
0x70: {  	[hbm4b:s28+s17] =	stream.strided.scatter [tilespmem:s21], [sflag:$0x2], $0x6400, s18, s17, $0x38;
	[tilespmem:$0x19C80] =	vst v63  }
0x71: {  	_ =	swait.ge [sflag:s14], $0x6400  }
0x72: {  	[sflag:s14] =	ssyncset.done $0x0  }
0x73: {  	[sflag:s14] =	ssyncadd.s32 $0xFFFF9C00  }
0x74: {  	_ =	swait.ge [sflag:s14], $0x6400  }
0x75: {  	[sflag:s14] =	ssyncset.done $0x0  }
0x76: {  	[sflag:s14] =	ssyncadd.s32 $0xFFFF9C00  }
.Ltmp0:
0x77: {  	_ =	swait.ge [sflag:s14], $0x6400;
	(pc) =	sbr.rel @p0 .LBB2_2-.Ltmp0, $4  }
0x78: {  	[sflag:s14] =	ssyncset.done $0x0  }
0x79: {  	[sflag:s14] =	ssyncadd.s32 $0xFFFF9C00  }
0x7a: {  	_ =	swait.ge [sflag:s14], $0x6400  }
0x7b: {  	s24 =	sadd.s32 $0x64, s24;
	[sflag:s14] =	ssyncset.done $0x0  }
0x7c: {  	s26 =	sadd.s32 s24, s9;
	[sflag:s14] =	ssyncadd.s32 $0xFFFF9C00;
	s25 =	sadd.s32 $0x64, s25  }
0x7d: {  	[tilespmem:s2], [sflag:$0x2] =	stream.linear.gather [hbm4b:s26+s2], $0x320, $0x38;
	[tilespmem:$0x19C80] =	vst v63  }
0x7e: {  	s31 =	sadd.s32 s25, s9  }
0x7f: {  	[tilespmem:s11], [sflag:$0x2] =	stream.linear.gather [hbm4b:s31+s2], $0x320, $0x38;
	[tilespmem:$0x19C80] =	vst v63  }
0x80: {  	s28 =	sadd.s32 s24, s10  }
0x81: {  	[tilespmem:s12], [sflag:$0x2] =	stream.linear.gather [hbm4b:s28+s2], $0x320, $0x38;
	[tilespmem:$0x19C80] =	vst v63  }
0x82: {  	s29 =	sadd.s32 s25, s10  }
0x83: {  	[tilespmem:s13], [sflag:$0x2] =	stream.linear.gather [hbm4b:s29+s2], $0x320, $0x38;
	[tilespmem:$0x19C80] =	vst v63  }
0x84: {  	_ =	swait.ge [sflag:s14], $0x320  }
0x85: {  	[sflag:s14] =	ssyncset.done $0x0  }
0x86: {  	[sflag:s14] =	ssyncadd.s32 $0xFFFFFCE0  }
0x87: {  	_ =	swait.ge [sflag:s14], $0x320  }
0x88: {  	[sflag:s14] =	ssyncset.done $0x0  }
0x89: {  	[sflag:s14] =	ssyncadd.s32 $0xFFFFFCE0  }
0x8a: {  	_ =	swait.ge [sflag:s14], $0x320  }
0x8b: {  	[sflag:s14] =	ssyncset.done $0x0  }
0x8c: {  	[sflag:s14] =	ssyncadd.s32 $0xFFFFFCE0  }
0x8d: {  	_ =	swait.ge [sflag:s14], $0x320  }
0x8e: {  	[sflag:s14] =	ssyncset.done $0x0  }
0x8f: {  	[sflag:s14] =	ssyncadd.s32 $0xFFFFFCE0  }
0x90: {  	[tilespmem:s15], [sflag:$0x1] =	stream.indirect.gather [hbm4b:s3+s11], $0x20, s2, s11, $0xb8;
	[tilespmem:$0x19C80] =	vst v63  }
0x91: {  	_ =	swait.ge [sflag:s16], $0x6400  }
0x92: {  	[sflag:s16] =	ssyncset.done $0x0  }
0x93: {  	s23 =	sadd.s32 s23, s8;
	[sflag:s16] =	ssyncadd.s32 $0xFFFF9C00  }
0x94: {  	[hbm4b:s23+s17] =	stream.strided.scatter [tilespmem:s15], [sflag:$0x2], $0x6400, s18, s17, $0x38;
	[tilespmem:$0x19C80] =	vst v63  }
0x95: {  	_ = 	snop  }
0x96: {  	[tilespmem:s19], [sflag:$0x1] =	stream.indirect.gather [hbm4b:s4+s11], $0x20, s11, s11, $0xb8;
	[tilespmem:$0x19C80] =	vst v63  }
0x97: {  	_ =	swait.ge [sflag:s16], $0x6400  }
0x98: {  	[sflag:s16] =	ssyncset.done $0x0  }
0x99: {  	s30 =	sadd.s32 $0x4, s23;
	[sflag:s16] =	ssyncadd.s32 $0xFFFF9C00  }
0x9a: {  	[hbm4b:s30+s17] =	stream.strided.scatter [tilespmem:s19], [sflag:$0x2], $0x6400, s18, s17, $0x38;
	[tilespmem:$0x19C80] =	vst v63  }
0x9b: {  	_ = 	snop  }
0x9c: {  	[tilespmem:s20], [sflag:$0x1] =	stream.indirect.gather [hbm4b:s3+s11], $0x20, s12, s11, $0xb8;
	[tilespmem:$0x19C80] =	vst v63  }
0x9d: {  	_ =	swait.ge [sflag:s16], $0x6400  }
0x9e: {  	[sflag:s16] =	ssyncset.done $0x0  }
0x9f: {  	s31 =	sadd.s32 $0x8, s23;
	[sflag:s16] =	ssyncadd.s32 $0xFFFF9C00  }
0xa0: {  	[hbm4b:s31+s17] =	stream.strided.scatter [tilespmem:s20], [sflag:$0x2], $0x6400, s18, s17, $0x38;
	[tilespmem:$0x19C80] =	vst v63  }
0xa1: {  	_ = 	snop  }
0xa2: {  	[tilespmem:s21], [sflag:$0x1] =	stream.indirect.gather [hbm4b:s4+s11], $0x20, s13, s11, $0xb8;
	[tilespmem:$0x19C80] =	vst v63  }
0xa3: {  	_ =	swait.ge [sflag:s16], $0x6400  }
0xa4: {  	[sflag:s16] =	ssyncset.done $0x0  }
0xa5: {  	s23 =	sadd.s32 $0xC, s23;
	[sflag:s16] =	ssyncadd.s32 $0xFFFF9C00  }
0xa6: {  	[hbm4b:s23+s17] =	stream.strided.scatter [tilespmem:s21], [sflag:$0x2], $0x6400, s18, s17, $0x38;
	[tilespmem:$0x19C80] =	vst v63  }
0xa7: {  	_ =	swait.ge [sflag:s14], $0x6400  }
0xa8: {  	[sflag:s14] =	ssyncset.done $0x0  }
0xa9: {  	[sflag:s14] =	ssyncadd.s32 $0xFFFF9C00  }
0xaa: {  	_ =	swait.ge [sflag:s14], $0x6400  }
0xab: {  	[sflag:s14] =	ssyncset.done $0x0  }
0xac: {  	s22 =	sadd.s32 $0x1, s22;
	[sflag:s14] =	ssyncadd.s32 $0xFFFF9C00  }
0xad: {  	p0 =	sne.s32 s22, s7;
	_ =	swait.ge [sflag:s14], $0x6400  }
.Ltmp1:
0xae: {  	[sflag:s14] =	ssyncset.done $0x0;
	(pc) =	sbr.rel @p0 .LBB2_1-.Ltmp1, $4  }
0xaf: {  	[sflag:s14] =	ssyncadd.s32 $0xFFFF9C00  }
0xb0: {  	_ =	swait.ge [sflag:s14], $0x6400  }
0xb1: {  	[sflag:s14] =	ssyncset.done $0x0  }
0xb2: {  	[sflag:s14] =	ssyncadd.s32 $0xFFFF9C00  }
0xb3: {  	_ =	sfence.sel $0x180000  }
0xb4: {  	[bflag:$0x0] =	sbarrier.arrive $0xFFFF  }
0xb5: {  	p0 =	sne.s32 s1, $0x0;
	_ =	strace $0x90000048  }
0xb6: {  	s0 =	sadd.s32 @!p0 $0x100000, s0;
	[bflag:$0x2] =	sbarrier.arrive $0xFFFF  }
0xb7: {  	[sflag:s0] =	ssyncadd.tile.s32 @!p0 $0x1;
	_ =	shalt  }
.Lfunc_end2:
_tile_overlayer_lowered:
.L_overlay_start_2:
0xb8: {  	(tag) =	ssettag $0x2  }
0xb9: {  	s0 =	rddreg [dreg:$0x0];
	s2 =	stileid.u32  }
0xba: {  	s1 =	rddreg [dreg:$0x1];
	p0 =	sne.s32 s2, $0x0  }
0xbb: {  	s3 =	rddreg [dreg:$0x2];
	[bflag:$0x3] =	sbarrier.arrive $0xFFFF;
	s2 =	simm.s32 @!p0 $0x1C03  }
0xbc: {  	[timem:s3], [sflag:s2] =	dma.local @!p0 [hbm:s0], s1  }
0xbd: {  	s0 =	simm.s32 @!p0 $0x3  }
0xbe: {  	_ =	swait.ge @!p0 [sflag:s0], s1  }
0xbf: {  	s1 =	ssub.s32 @!p0 $0x0, s1;
	[sflag:s0] =	ssyncset.done @!p0 $0x0  }
0xc0: {  	[sflag:s0] =	ssyncadd.s32 @!p0 s1  }
0xc1: {  	[bflag:$0x3] =	sbarrier.arrive $0xFFFF  }
0xc2: {  	_ =	shalt  }

</sc_bundles>
